<compile_context>
chip_gen: v7x
topology: tpu7x:2x2x1
jax: 0.10.2.dev20260603
libtpu: 0.0.44.dev20260713+nightly
codegen_flags: <defaults>
</compile_context>

<pallas_src>
import functools

import jax
import jax.numpy as jnp
from jax import lax
from jax.experimental import pallas as pl
from jax.experimental.pallas import tpu as pltpu
from jax.experimental.pallas import tpu_sc as plsc

CUTOFF = 12.0
CUTON = 0.8 * CUTOFF
KE = 14.399645

N_NODES = 50000
N_EDGES = 1600000
NW = 32
E_PER_W = N_EDGES // NW
B = 2000
NCH = E_PER_W // B
LANES = 16

_F16_SCALE = 5.192296858534828e33


def _body(uv_hbm, d_hbm, vx_hbm, vy_hbm, vz_hbm, ta_hbm, tb_hbm, out_hbm,
          uv_v, d_v, vx_v, vy_v, vz_v, o_v, ta_v, tb_v, sem_in, sem_out):
    wid = lax.axis_index("s") * 2 + lax.axis_index("c")

    pltpu.sync_copy(ta_hbm, ta_v)
    pltpu.sync_copy(tb_hbm, tb_v)

    c_shift_a = 2.0 / CUTOFF
    c_shift_b = 1.0 / (CUTOFF * CUTOFF)
    inv_w = 1.0 / (CUTOFF - CUTON)

    def in_pairs(base, bb):
        return [(uv_hbm.at[pl.ds(base, B)], uv_v.at[pl.ds(bb, B)]),
                (d_hbm.at[pl.ds(base, B)], d_v.at[pl.ds(bb, B)]),
                (vx_hbm.at[pl.ds(base, B)], vx_v.at[pl.ds(bb, B)]),
                (vy_hbm.at[pl.ds(base, B)], vy_v.at[pl.ds(bb, B)]),
                (vz_hbm.at[pl.ds(base, B)], vz_v.at[pl.ds(bb, B)])]

    def issue_in(ci, bb):
        base = wid * E_PER_W + ci * B
        for src, dst in in_pairs(base, bb):
            pltpu.async_copy(src, dst, sem_in)

    issue_in(0, 0)

    def g_body(g, carry):
        bb = (g & 1) * B
        base = wid * E_PER_W + g * B

        @pl.when(g + 1 < NCH)
        def _prefetch():
            issue_in(g + 1, B - bb)

        for src, dst in in_pairs(base, bb):
            pltpu.make_async_copy(src, dst, sem_in).wait()

        @pl.when(g >= 2)
        def _guard():
            pltpu.make_async_copy(o_v.at[pl.ds(bb, B)],
                                  out_hbm.at[pl.ds(base, B)], sem_out).wait()

        @plsc.parallel_loop(0, B, step=LANES, unroll=4)
        def step(s0):
            s = bb + s0
            w = uv_v[pl.ds(s, LANES)]
            iu = w & 0xFFFF
            iv = lax.shift_right_logical(w, 16)
            wa_u = plsc.load_gather(ta_v, [iu])
            wa_v = plsc.load_gather(ta_v, [iv])
            wb_u = plsc.load_gather(tb_v, [iu])
            bu = wa_u & 0xFFFF
            qu = plsc.bitcast(
                ((bu & 0x8000) << 16) | ((bu & 0x7FFF) << 13),
                jnp.float32) * _F16_SCALE
            bv = wa_v & 0xFFFF
            qv = plsc.bitcast(
                ((bv & 0x8000) << 16) | ((bv & 0x7FFF) << 13),
                jnp.float32) * _F16_SCALE
            dz = plsc.bitcast(wa_u & jnp.int32(-65536), jnp.float32)
            dx = plsc.bitcast(wb_u << 16, jnp.float32)
            dy = plsc.bitcast(wb_u & jnp.int32(-65536), jnp.float32)

            d = d_v[pl.ds(s, LANES)]
            vx = vx_v[pl.ds(s, LANES)]
            vy = vy_v[pl.ds(s, LANES)]
            vz = vz_v[pl.ds(s, LANES)]

            chi = 1.0 / d
            chi_shift = c_shift_a - d * c_shift_b
            e = qu * qv * (chi - chi_shift)
            chi2 = chi * chi
            chi2_shift = chi_shift * chi_shift
            dot = (vx * dx + vy * dy + vz * dz) * chi
            e = e + qv * dot * (chi2 - chi2_shift)
            x = (d - CUTON) * inv_w
            x = jnp.minimum(jnp.maximum(x, 0.0), 1.0)
            sw = 1.0 + x * x * x * (-10.0 + x * (15.0 - 6.0 * x))
            o_v[pl.ds(s, LANES)] = (KE * e) * sw

        pltpu.async_copy(o_v.at[pl.ds(bb, B)],
                         out_hbm.at[pl.ds(base, B)], sem_out)
        return carry

    lax.fori_loop(0, NCH, g_body, 0)

    pltpu.make_async_copy(o_v.at[pl.ds(0, B)],
                          out_hbm.at[pl.ds(0, B)], sem_out).wait()
    pltpu.make_async_copy(o_v.at[pl.ds(0, B)],
                          out_hbm.at[pl.ds(0, B)], sem_out).wait()


def kernel(mlmm_distances, mlmm_vectors, mlmm_atomic_charges, atomic_dipoles,
           mlmm_idxu, mlmm_idxv):
    iu = mlmm_idxu.astype(jnp.int32)
    iv = mlmm_idxv.astype(jnp.int32)
    uv = iu | (iv << 16)

    vec_t = mlmm_vectors.T
    vx, vy, vz = vec_t[0], vec_t[1], vec_t[2]

    q16 = lax.bitcast_convert_type(
        mlmm_atomic_charges.astype(jnp.float16), jnp.uint16).astype(jnp.int32)
    dip_t = atomic_dipoles.T
    d16 = lax.bitcast_convert_type(
        dip_t.astype(jnp.bfloat16), jnp.uint16).astype(jnp.int32)
    word_a = q16 | (d16[2] << 16)
    word_b = d16[0] | (d16[1] << 16)

    mesh = plsc.VectorSubcoreMesh(core_axis_name="c", subcore_axis_name="s")
    run = functools.partial(
        pl.kernel,
        out_type=jax.ShapeDtypeStruct((N_EDGES,), jnp.float32),
        mesh=mesh,
        compiler_params=pltpu.CompilerParams(
            needs_layout_passes=False, use_tc_tiling_on_sc=False),
        scratch_types=[
            pltpu.VMEM((2 * B,), jnp.int32),
            pltpu.VMEM((2 * B,), jnp.float32),
            pltpu.VMEM((2 * B,), jnp.float32),
            pltpu.VMEM((2 * B,), jnp.float32),
            pltpu.VMEM((2 * B,), jnp.float32),
            pltpu.VMEM((2 * B,), jnp.float32),
            pltpu.VMEM((N_NODES,), jnp.int32),
            pltpu.VMEM((N_NODES,), jnp.int32),
            pltpu.SemaphoreType.DMA,
            pltpu.SemaphoreType.DMA,
        ],
    )(_body)
    return run(uv, mlmm_distances, vx, vy, vz, word_a, word_b)

# --- scband reference (transcript-rebuilt; emitter-appended) ---
"""Pipeline reference for scband-mlmm-electrostatics-5214090297978 (READ-ONLY COPY).

The authoritative reference and input builder live on the scoring server;
editing this copy changes nothing except your own understanding.
"""

import jax, jax.numpy as jnp
import numpy as np

CUTOFF = 12.0
CUTON = 0.8 * CUTOFF
KE = 14.399645
N_NODES = 50000
N_EDGES = 1600000


def poly6_range_switch(d):
    # Smooth poly6 switch-off between cuton and cutoff
    x = jnp.clip((d - CUTON) / (CUTOFF - CUTON), 0.0, 1.0)
    return 1.0 - 10.0 * x**3 + 15.0 * x**4 - 6.0 * x**5


def setup_inputs(seed: int = 0) -> dict:
    key = jax.random.key(seed)
    k1, k2, k3, k4, k5, k6 = jax.random.split(key, 6)
    mlmm_distances = jax.random.uniform(
        k1, (N_EDGES,), dtype=jnp.float32, minval=1.0, maxval=CUTOFF)
    mlmm_vectors = jax.random.normal(k2, (N_EDGES, 3), dtype=jnp.float32)
    mlmm_atomic_charges = 0.1 * jax.random.normal(
        k3, (N_NODES,), dtype=jnp.float32)
    atomic_dipoles = 0.1 * jax.random.normal(
        k4, (N_NODES, 3), dtype=jnp.float32)
    mlmm_idxu = jax.random.randint(k5, (N_EDGES,), 0, N_NODES, dtype=jnp.int64 if jax.config.jax_enable_x64 else jnp.int32)
    mlmm_idxv = jax.random.randint(k6, (N_EDGES,), 0, N_NODES, dtype=jnp.int64 if jax.config.jax_enable_x64 else jnp.int32)
    return {
        'mlmm_distances': mlmm_distances,
        'mlmm_vectors': mlmm_vectors,
        'mlmm_atomic_charges': mlmm_atomic_charges,
        'atomic_dipoles': atomic_dipoles,
        'mlmm_idxu': mlmm_idxu,
        'mlmm_idxv': mlmm_idxv,
    }


def reference(mlmm_distances, mlmm_vectors, mlmm_atomic_charges,
              atomic_dipoles, mlmm_idxu, mlmm_idxv):
    # MLMM_electrostatics_ShiftedForce forward with atomic_dipoles=True
    distances = mlmm_distances
    chi = 1.0 / distances
    chi_shift = 2.0 / CUTOFF - distances / (CUTOFF ** 2)
    atomic_charges_i = jnp.take(mlmm_atomic_charges, mlmm_idxu, axis=0)
    atomic_charges_j = jnp.take(mlmm_atomic_charges, mlmm_idxv, axis=0)
    Eelec = atomic_charges_i * atomic_charges_j * (chi - chi_shift)
    # atomic dipole contribution (note: original code overwrites chi2_shift
    # with chi_shift**2, which we reproduce faithfully)
    chi2 = chi ** 2
    chi2_shift = chi_shift ** 2
    chi_vectors = mlmm_vectors / distances[:, None]
    atomic_dipoles_i = jnp.take(atomic_dipoles, mlmm_idxu, axis=0)
    dot_ji = jnp.sum(chi_vectors * atomic_dipoles_i, axis=1)
    Eelec = Eelec + atomic_charges_j * dot_ji * (chi2 - chi2_shift)
    Eelec = KE * Eelec
    Eelec = Eelec * poly6_range_switch(distances)
    return Eelec

if __name__ == "__main__":
    import jax
    _d = setup_inputs()
    print(jax.jit(kernel)(*tuple(_d.values())))

</pallas_src>

<mosaic_0001>
#map = affine_map<(d0, d1) -> (0)>
module attributes {stable_mosaic.version = 14 : i64} {
  func.func @_body(%arg0: i32, %arg1: i32, %arg2: memref<1600000xi32, #tpu.memory_space<hbm>>, %arg3: memref<1600000xf32, #tpu.memory_space<hbm>>, %arg4: memref<1600000xf32, #tpu.memory_space<hbm>>, %arg5: memref<1600000xf32, #tpu.memory_space<hbm>>, %arg6: memref<1600000xf32, #tpu.memory_space<hbm>>, %arg7: memref<50000xi32, #tpu.memory_space<hbm>>, %arg8: memref<50000xi32, #tpu.memory_space<hbm>>, %arg9: memref<1600000xf32, #tpu.memory_space<hbm>>, %arg10: memref<4000xi32, #tpu.memory_space<vmem>>, %arg11: memref<4000xf32, #tpu.memory_space<vmem>>, %arg12: memref<4000xf32, #tpu.memory_space<vmem>>, %arg13: memref<4000xf32, #tpu.memory_space<vmem>>, %arg14: memref<4000xf32, #tpu.memory_space<vmem>>, %arg15: memref<4000xf32, #tpu.memory_space<vmem>>, %arg16: memref<50000xi32, #tpu.memory_space<vmem>>, %arg17: memref<50000xi32, #tpu.memory_space<vmem>>, %arg18: memref<!tpu.dma_semaphore, #tpu.memory_space<semaphore_mem>>, %arg19: memref<!tpu.dma_semaphore, #tpu.memory_space<semaphore_mem>>) attributes {dimension_semantics = [#tpu.dimension_semantics<core_parallel>, #tpu.dimension_semantics<subcore_parallel>], iteration_bounds = array<i64: 2, 16>, scalar_prefetch = 0 : i64, scratch_operands = 10 : i64, tpu.core_type = #tpu.core_type<sc_vector_subcore>, window_params = [{transform_indices = #map}, {transform_indices = #map}, {transform_indices = #map}, {transform_indices = #map}, {transform_indices = #map}, {transform_indices = #map}, {transform_indices = #map}, {transform_indices = #map}]} {
    %mul3A = arith.constant 2 : i32
    %mul3A_0 = arith.muli %arg1, %mul3A : i32
    %add3A = arith.addi %mul3A_0, %arg0 : i32
    "tpu.region"() ({
      %run_scoped3A = tpu.sem_alloc : memref<!tpu.dma_semaphore, #tpu.memory_space<semaphore_mem>>
      tpu.enqueue_dma source(%arg7 : memref<50000xi32, #tpu.memory_space<hbm>>) target(%arg16 : memref<50000xi32, #tpu.memory_space<vmem>>) target_semaphore(%run_scoped3A : memref<!tpu.dma_semaphore, #tpu.memory_space<semaphore_mem>>)
      tpu.wait_dma2 semaphore(%run_scoped3A : memref<!tpu.dma_semaphore, #tpu.memory_space<semaphore_mem>>) src(%arg7 : memref<50000xi32, #tpu.memory_space<hbm>>) dst(%arg16 : memref<50000xi32, #tpu.memory_space<vmem>>)
      tpu.yield
    }) : () -> ()
    "tpu.region"() ({
      %run_scoped3A = tpu.sem_alloc : memref<!tpu.dma_semaphore, #tpu.memory_space<semaphore_mem>>
      tpu.enqueue_dma source(%arg8 : memref<50000xi32, #tpu.memory_space<hbm>>) target(%arg17 : memref<50000xi32, #tpu.memory_space<vmem>>) target_semaphore(%run_scoped3A : memref<!tpu.dma_semaphore, #tpu.memory_space<semaphore_mem>>)
      tpu.wait_dma2 semaphore(%run_scoped3A : memref<!tpu.dma_semaphore, #tpu.memory_space<semaphore_mem>>) src(%arg8 : memref<50000xi32, #tpu.memory_space<hbm>>) dst(%arg17 : memref<50000xi32, #tpu.memory_space<vmem>>)
      tpu.yield
    }) : () -> ()
    %mul3A_1 = arith.constant 50000 : i32
    %mul3A_2 = arith.muli %add3A, %mul3A_1 : i32
    %add3A_3 = arith.constant 0 : i32
    %add3A_4 = arith.addi %mul3A_2, %add3A_3 : i32
    %dma_start3A = arith.constant 0 : i32
    %dma_start3A_5 = tpu.memref_slice %arg10[%dma_start3A] : memref<4000xi32, #tpu.memory_space<vmem>> -> memref<2000xi32, #tpu.memory_space<vmem>>
    %dma_start3A_6 = tpu.memref_slice %arg2[%add3A_4] : memref<1600000xi32, #tpu.memory_space<hbm>> -> memref<2000xi32, #tpu.memory_space<hbm>>
    %dma_start3A_7 = arith.constant 0 : i32
    %dma_start3A_8 = tpu.memref_slice %arg10[%dma_start3A_7] : memref<4000xi32, #tpu.memory_space<vmem>> -> memref<2000xi32, #tpu.memory_space<vmem>>
    %dma_start3A_9 = tpu.memref_slice %arg2[%add3A_4] : memref<1600000xi32, #tpu.memory_space<hbm>> -> memref<2000xi32, #tpu.memory_space<hbm>>
    tpu.enqueue_dma source(%dma_start3A_9 : memref<2000xi32, #tpu.memory_space<hbm>>) target(%dma_start3A_8 : memref<2000xi32, #tpu.memory_space<vmem>>) target_semaphore(%arg18 : memref<!tpu.dma_semaphore, #tpu.memory_space<semaphore_mem>>)
    %dma_start3A_10 = arith.constant 0 : i32
    %dma_start3A_11 = tpu.memref_slice %arg11[%dma_start3A_10] : memref<4000xf32, #tpu.memory_space<vmem>> -> memref<2000xf32, #tpu.memory_space<vmem>>
    %dma_start3A_12 = tpu.memref_slice %arg3[%add3A_4] : memref<1600000xf32, #tpu.memory_space<hbm>> -> memref<2000xf32, #tpu.memory_space<hbm>>
    %dma_start3A_13 = arith.constant 0 : i32
    %dma_start3A_14 = tpu.memref_slice %arg11[%dma_start3A_13] : memref<4000xf32, #tpu.memory_space<vmem>> -> memref<2000xf32, #tpu.memory_space<vmem>>
    %dma_start3A_15 = tpu.memref_slice %arg3[%add3A_4] : memref<1600000xf32, #tpu.memory_space<hbm>> -> memref<2000xf32, #tpu.memory_space<hbm>>
    tpu.enqueue_dma source(%dma_start3A_15 : memref<2000xf32, #tpu.memory_space<hbm>>) target(%dma_start3A_14 : memref<2000xf32, #tpu.memory_space<vmem>>) target_semaphore(%arg18 : memref<!tpu.dma_semaphore, #tpu.memory_space<semaphore_mem>>)
    %dma_start3A_16 = arith.constant 0 : i32
    %dma_start3A_17 = tpu.memref_slice %arg12[%dma_start3A_16] : memref<4000xf32, #tpu.memory_space<vmem>> -> memref<2000xf32, #tpu.memory_space<vmem>>
    %dma_start3A_18 = tpu.memref_slice %arg4[%add3A_4] : memref<1600000xf32, #tpu.memory_space<hbm>> -> memref<2000xf32, #tpu.memory_space<hbm>>
    %dma_start3A_19 = arith.constant 0 : i32
    %dma_start3A_20 = tpu.memref_slice %arg12[%dma_start3A_19] : memref<4000xf32, #tpu.memory_space<vmem>> -> memref<2000xf32, #tpu.memory_space<vmem>>
    %dma_start3A_21 = tpu.memref_slice %arg4[%add3A_4] : memref<1600000xf32, #tpu.memory_space<hbm>> -> memref<2000xf32, #tpu.memory_space<hbm>>
    tpu.enqueue_dma source(%dma_start3A_21 : memref<2000xf32, #tpu.memory_space<hbm>>) target(%dma_start3A_20 : memref<2000xf32, #tpu.memory_space<vmem>>) target_semaphore(%arg18 : memref<!tpu.dma_semaphore, #tpu.memory_space<semaphore_mem>>)
    %dma_start3A_22 = arith.constant 0 : i32
    %dma_start3A_23 = tpu.memref_slice %arg13[%dma_start3A_22] : memref<4000xf32, #tpu.memory_space<vmem>> -> memref<2000xf32, #tpu.memory_space<vmem>>
    %dma_start3A_24 = tpu.memref_slice %arg5[%add3A_4] : memref<1600000xf32, #tpu.memory_space<hbm>> -> memref<2000xf32, #tpu.memory_space<hbm>>
    %dma_start3A_25 = arith.constant 0 : i32
    %dma_start3A_26 = tpu.memref_slice %arg13[%dma_start3A_25] : memref<4000xf32, #tpu.memory_space<vmem>> -> memref<2000xf32, #tpu.memory_space<vmem>>
    %dma_start3A_27 = tpu.memref_slice %arg5[%add3A_4] : memref<1600000xf32, #tpu.memory_space<hbm>> -> memref<2000xf32, #tpu.memory_space<hbm>>
    tpu.enqueue_dma source(%dma_start3A_27 : memref<2000xf32, #tpu.memory_space<hbm>>) target(%dma_start3A_26 : memref<2000xf32, #tpu.memory_space<vmem>>) target_semaphore(%arg18 : memref<!tpu.dma_semaphore, #tpu.memory_space<semaphore_mem>>)
    %dma_start3A_28 = arith.constant 0 : i32
    %dma_start3A_29 = tpu.memref_slice %arg14[%dma_start3A_28] : memref<4000xf32, #tpu.memory_space<vmem>> -> memref<2000xf32, #tpu.memory_space<vmem>>
    %dma_start3A_30 = tpu.memref_slice %arg6[%add3A_4] : memref<1600000xf32, #tpu.memory_space<hbm>> -> memref<2000xf32, #tpu.memory_space<hbm>>
    %dma_start3A_31 = arith.constant 0 : i32
    %dma_start3A_32 = tpu.memref_slice %arg14[%dma_start3A_31] : memref<4000xf32, #tpu.memory_space<vmem>> -> memref<2000xf32, #tpu.memory_space<vmem>>
    %dma_start3A_33 = tpu.memref_slice %arg6[%add3A_4] : memref<1600000xf32, #tpu.memory_space<hbm>> -> memref<2000xf32, #tpu.memory_space<hbm>>
    tpu.enqueue_dma source(%dma_start3A_33 : memref<2000xf32, #tpu.memory_space<hbm>>) target(%dma_start3A_32 : memref<2000xf32, #tpu.memory_space<vmem>>) target_semaphore(%arg18 : memref<!tpu.dma_semaphore, #tpu.memory_space<semaphore_mem>>)
    %scan3A = arith.constant 0 : i32
    %scan3A_34 = arith.constant 0 : i32
    %scan3A_35 = arith.constant 25 : i32
    %scan3A_36 = arith.addi %scan3A_34, %scan3A_35 : i32
    %scan3A_37 = arith.constant 1 : i32
    scf.for %scan3A_54 = %scan3A_34 to %scan3A_36 step %scan3A_37  : i32 {
      %and3A = arith.constant 1 : i32
      %and3A_55 = arith.andi %scan3A_54, %and3A : i32
      %mul3A_56 = arith.constant 2000 : i32
      %mul3A_57 = arith.muli %and3A_55, %mul3A_56 : i32
      %mul3A_58 = arith.constant 50000 : i32
      %mul3A_59 = arith.muli %add3A, %mul3A_58 : i32
      %mul3A_60 = arith.constant 2000 : i32
      %mul3A_61 = arith.muli %scan3A_54, %mul3A_60 : i32
      %add3A_62 = arith.addi %mul3A_59, %mul3A_61 : i32
      %add3A_63 = arith.constant 1 : i32
      %add3A_64 = arith.addi %scan3A_54, %add3A_63 : i32
      %lt3A = arith.constant 25 : i32
      %lt3A_65 = arith.cmpi slt, %add3A_64, %lt3A : i32
      %convert_element_type3A = arith.extui %lt3A_65 : i1 to i32
      %cond3A = arith.constant 0 : i32
      %cond3A_66 = arith.cmpi ne, %convert_element_type3A, %cond3A : i32
      scf.if %cond3A_66 {
        %add3A_97 = arith.constant 1 : i32
        %add3A_98 = arith.addi %scan3A_54, %add3A_97 : i32
        %sub3A = arith.constant 2000 : i32
        %sub3A_99 = arith.subi %sub3A, %mul3A_57 : i32
        %mul3A_100 = arith.constant 50000 : i32
        %mul3A_101 = arith.muli %add3A, %mul3A_100 : i32
        %mul3A_102 = arith.constant 2000 : i32
        %mul3A_103 = arith.muli %add3A_98, %mul3A_102 : i32
        %add3A_104 = arith.addi %mul3A_101, %mul3A_103 : i32
        %dma_start3A_105 = tpu.memref_slice %arg10[%sub3A_99] : memref<4000xi32, #tpu.memory_space<vmem>> -> memref<2000xi32, #tpu.memory_space<vmem>>
        %dma_start3A_106 = tpu.memref_slice %arg2[%add3A_104] : memref<1600000xi32, #tpu.memory_space<hbm>> -> memref<2000xi32, #tpu.memory_space<hbm>>
        %dma_start3A_107 = tpu.memref_slice %arg10[%sub3A_99] : memref<4000xi32, #tpu.memory_space<vmem>> -> memref<2000xi32, #tpu.memory_space<vmem>>
        %dma_start3A_108 = tpu.memref_slice %arg2[%add3A_104] : memref<1600000xi32, #tpu.memory_space<hbm>> -> memref<2000xi32, #tpu.memory_space<hbm>>
        tpu.enqueue_dma source(%dma_start3A_108 : memref<2000xi32, #tpu.memory_space<hbm>>) target(%dma_start3A_107 : memref<2000xi32, #tpu.memory_space<vmem>>) target_semaphore(%arg18 : memref<!tpu.dma_semaphore, #tpu.memory_space<semaphore_mem>>)
        %dma_start3A_109 = tpu.memref_slice %arg11[%sub3A_99] : memref<4000xf32, #tpu.memory_space<vmem>> -> memref<2000xf32, #tpu.memory_space<vmem>>
        %dma_start3A_110 = tpu.memref_slice %arg3[%add3A_104] : memref<1600000xf32, #tpu.memory_space<hbm>> -> memref<2000xf32, #tpu.memory_space<hbm>>
        %dma_start3A_111 = tpu.memref_slice %arg11[%sub3A_99] : memref<4000xf32, #tpu.memory_space<vmem>> -> memref<2000xf32, #tpu.memory_space<vmem>>
        %dma_start3A_112 = tpu.memref_slice %arg3[%add3A_104] : memref<1600000xf32, #tpu.memory_space<hbm>> -> memref<2000xf32, #tpu.memory_space<hbm>>
        tpu.enqueue_dma source(%dma_start3A_112 : memref<2000xf32, #tpu.memory_space<hbm>>) target(%dma_start3A_111 : memref<2000xf32, #tpu.memory_space<vmem>>) target_semaphore(%arg18 : memref<!tpu.dma_semaphore, #tpu.memory_space<semaphore_mem>>)
        %dma_start3A_113 = tpu.memref_slice %arg12[%sub3A_99] : memref<4000xf32, #tpu.memory_space<vmem>> -> memref<2000xf32, #tpu.memory_space<vmem>>
        %dma_start3A_114 = tpu.memref_slice %arg4[%add3A_104] : memref<1600000xf32, #tpu.memory_space<hbm>> -> memref<2000xf32, #tpu.memory_space<hbm>>
        %dma_start3A_115 = tpu.memref_slice %arg12[%sub3A_99] : memref<4000xf32, #tpu.memory_space<vmem>> -> memref<2000xf32, #tpu.memory_space<vmem>>
        %dma_start3A_116 = tpu.memref_slice %arg4[%add3A_104] : memref<1600000xf32, #tpu.memory_space<hbm>> -> memref<2000xf32, #tpu.memory_space<hbm>>
        tpu.enqueue_dma source(%dma_start3A_116 : memref<2000xf32, #tpu.memory_space<hbm>>) target(%dma_start3A_115 : memref<2000xf32, #tpu.memory_space<vmem>>) target_semaphore(%arg18 : memref<!tpu.dma_semaphore, #tpu.memory_space<semaphore_mem>>)
        %dma_start3A_117 = tpu.memref_slice %arg13[%sub3A_99] : memref<4000xf32, #tpu.memory_space<vmem>> -> memref<2000xf32, #tpu.memory_space<vmem>>
        %dma_start3A_118 = tpu.memref_slice %arg5[%add3A_104] : memref<1600000xf32, #tpu.memory_space<hbm>> -> memref<2000xf32, #tpu.memory_space<hbm>>
        %dma_start3A_119 = tpu.memref_slice %arg13[%sub3A_99] : memref<4000xf32, #tpu.memory_space<vmem>> -> memref<2000xf32, #tpu.memory_space<vmem>>
        %dma_start3A_120 = tpu.memref_slice %arg5[%add3A_104] : memref<1600000xf32, #tpu.memory_space<hbm>> -> memref<2000xf32, #tpu.memory_space<hbm>>
        tpu.enqueue_dma source(%dma_start3A_120 : memref<2000xf32, #tpu.memory_space<hbm>>) target(%dma_start3A_119 : memref<2000xf32, #tpu.memory_space<vmem>>) target_semaphore(%arg18 : memref<!tpu.dma_semaphore, #tpu.memory_space<semaphore_mem>>)
        %dma_start3A_121 = tpu.memref_slice %arg14[%sub3A_99] : memref<4000xf32, #tpu.memory_space<vmem>> -> memref<2000xf32, #tpu.memory_space<vmem>>
        %dma_start3A_122 = tpu.memref_slice %arg6[%add3A_104] : memref<1600000xf32, #tpu.memory_space<hbm>> -> memref<2000xf32, #tpu.memory_space<hbm>>
        %dma_start3A_123 = tpu.memref_slice %arg14[%sub3A_99] : memref<4000xf32, #tpu.memory_space<vmem>> -> memref<2000xf32, #tpu.memory_space<vmem>>
        %dma_start3A_124 = tpu.memref_slice %arg6[%add3A_104] : memref<1600000xf32, #tpu.memory_space<hbm>> -> memref<2000xf32, #tpu.memory_space<hbm>>
        tpu.enqueue_dma source(%dma_start3A_124 : memref<2000xf32, #tpu.memory_space<hbm>>) target(%dma_start3A_123 : memref<2000xf32, #tpu.memory_space<vmem>>) target_semaphore(%arg18 : memref<!tpu.dma_semaphore, #tpu.memory_space<semaphore_mem>>)
      } else {
      }
      %dma_wait3A_67 = tpu.memref_slice %arg10[%mul3A_57] : memref<4000xi32, #tpu.memory_space<vmem>> -> memref<2000xi32, #tpu.memory_space<vmem>>
      %dma_wait3A_68 = tpu.memref_slice %arg2[%add3A_62] : memref<1600000xi32, #tpu.memory_space<hbm>> -> memref<2000xi32, #tpu.memory_space<hbm>>
      %dma_wait3A_69 = tpu.memref_slice %arg10[%mul3A_57] : memref<4000xi32, #tpu.memory_space<vmem>> -> memref<2000xi32, #tpu.memory_space<vmem>>
      %dma_wait3A_70 = tpu.memref_slice %arg2[%add3A_62] : memref<1600000xi32, #tpu.memory_space<hbm>> -> memref<2000xi32, #tpu.memory_space<hbm>>
      tpu.wait_dma2 semaphore(%arg18 : memref<!tpu.dma_semaphore, #tpu.memory_space<semaphore_mem>>) src(%dma_wait3A_70 : memref<2000xi32, #tpu.memory_space<hbm>>) dst(%dma_wait3A_69 : memref<2000xi32, #tpu.memory_space<vmem>>)
      %dma_wait3A_71 = tpu.memref_slice %arg11[%mul3A_57] : memref<4000xf32, #tpu.memory_space<vmem>> -> memref<2000xf32, #tpu.memory_space<vmem>>
      %dma_wait3A_72 = tpu.memref_slice %arg3[%add3A_62] : memref<1600000xf32, #tpu.memory_space<hbm>> -> memref<2000xf32, #tpu.memory_space<hbm>>
      %dma_wait3A_73 = tpu.memref_slice %arg11[%mul3A_57] : memref<4000xf32, #tpu.memory_space<vmem>> -> memref<2000xf32, #tpu.memory_space<vmem>>
      %dma_wait3A_74 = tpu.memref_slice %arg3[%add3A_62] : memref<1600000xf32, #tpu.memory_space<hbm>> -> memref<2000xf32, #tpu.memory_space<hbm>>
      tpu.wait_dma2 semaphore(%arg18 : memref<!tpu.dma_semaphore, #tpu.memory_space<semaphore_mem>>) src(%dma_wait3A_74 : memref<2000xf32, #tpu.memory_space<hbm>>) dst(%dma_wait3A_73 : memref<2000xf32, #tpu.memory_space<vmem>>)
      %dma_wait3A_75 = tpu.memref_slice %arg12[%mul3A_57] : memref<4000xf32, #tpu.memory_space<vmem>> -> memref<2000xf32, #tpu.memory_space<vmem>>
      %dma_wait3A_76 = tpu.memref_slice %arg4[%add3A_62] : memref<1600000xf32, #tpu.memory_space<hbm>> -> memref<2000xf32, #tpu.memory_space<hbm>>
      %dma_wait3A_77 = tpu.memref_slice %arg12[%mul3A_57] : memref<4000xf32, #tpu.memory_space<vmem>> -> memref<2000xf32, #tpu.memory_space<vmem>>
      %dma_wait3A_78 = tpu.memref_slice %arg4[%add3A_62] : memref<1600000xf32, #tpu.memory_space<hbm>> -> memref<2000xf32, #tpu.memory_space<hbm>>
      tpu.wait_dma2 semaphore(%arg18 : memref<!tpu.dma_semaphore, #tpu.memory_space<semaphore_mem>>) src(%dma_wait3A_78 : memref<2000xf32, #tpu.memory_space<hbm>>) dst(%dma_wait3A_77 : memref<2000xf32, #tpu.memory_space<vmem>>)
      %dma_wait3A_79 = tpu.memref_slice %arg13[%mul3A_57] : memref<4000xf32, #tpu.memory_space<vmem>> -> memref<2000xf32, #tpu.memory_space<vmem>>
      %dma_wait3A_80 = tpu.memref_slice %arg5[%add3A_62] : memref<1600000xf32, #tpu.memory_space<hbm>> -> memref<2000xf32, #tpu.memory_space<hbm>>
      %dma_wait3A_81 = tpu.memref_slice %arg13[%mul3A_57] : memref<4000xf32, #tpu.memory_space<vmem>> -> memref<2000xf32, #tpu.memory_space<vmem>>
      %dma_wait3A_82 = tpu.memref_slice %arg5[%add3A_62] : memref<1600000xf32, #tpu.memory_space<hbm>> -> memref<2000xf32, #tpu.memory_space<hbm>>
      tpu.wait_dma2 semaphore(%arg18 : memref<!tpu.dma_semaphore, #tpu.memory_space<semaphore_mem>>) src(%dma_wait3A_82 : memref<2000xf32, #tpu.memory_space<hbm>>) dst(%dma_wait3A_81 : memref<2000xf32, #tpu.memory_space<vmem>>)
      %dma_wait3A_83 = tpu.memref_slice %arg14[%mul3A_57] : memref<4000xf32, #tpu.memory_space<vmem>> -> memref<2000xf32, #tpu.memory_space<vmem>>
      %dma_wait3A_84 = tpu.memref_slice %arg6[%add3A_62] : memref<1600000xf32, #tpu.memory_space<hbm>> -> memref<2000xf32, #tpu.memory_space<hbm>>
      %dma_wait3A_85 = tpu.memref_slice %arg14[%mul3A_57] : memref<4000xf32, #tpu.memory_space<vmem>> -> memref<2000xf32, #tpu.memory_space<vmem>>
      %dma_wait3A_86 = tpu.memref_slice %arg6[%add3A_62] : memref<1600000xf32, #tpu.memory_space<hbm>> -> memref<2000xf32, #tpu.memory_space<hbm>>
      tpu.wait_dma2 semaphore(%arg18 : memref<!tpu.dma_semaphore, #tpu.memory_space<semaphore_mem>>) src(%dma_wait3A_86 : memref<2000xf32, #tpu.memory_space<hbm>>) dst(%dma_wait3A_85 : memref<2000xf32, #tpu.memory_space<vmem>>)
      %ge3A = arith.constant 2 : i32
      %ge3A_87 = arith.cmpi sge, %scan3A_54, %ge3A : i32
      %convert_element_type3A_88 = arith.extui %ge3A_87 : i1 to i32
      %cond3A_89 = arith.constant 0 : i32
      %cond3A_90 = arith.cmpi ne, %convert_element_type3A_88, %cond3A_89 : i32
      scf.if %cond3A_90 {
        %dma_wait3A_97 = tpu.memref_slice %arg15[%mul3A_57] : memref<4000xf32, #tpu.memory_space<vmem>> -> memref<2000xf32, #tpu.memory_space<vmem>>
        %dma_wait3A_98 = tpu.memref_slice %arg9[%add3A_62] : memref<1600000xf32, #tpu.memory_space<hbm>> -> memref<2000xf32, #tpu.memory_space<hbm>>
        %dma_wait3A_99 = tpu.memref_slice %arg9[%add3A_62] : memref<1600000xf32, #tpu.memory_space<hbm>> -> memref<2000xf32, #tpu.memory_space<hbm>>
        %dma_wait3A_100 = tpu.memref_slice %arg15[%mul3A_57] : memref<4000xf32, #tpu.memory_space<vmem>> -> memref<2000xf32, #tpu.memory_space<vmem>>
        tpu.wait_dma2 semaphore(%arg19 : memref<!tpu.dma_semaphore, #tpu.memory_space<semaphore_mem>>) src(%dma_wait3A_100 : memref<2000xf32, #tpu.memory_space<vmem>>) dst(%dma_wait3A_99 : memref<2000xf32, #tpu.memory_space<hbm>>)
      } else {
      }
      %parallel_loop3A = arith.constant 0 : i32
      %parallel_loop3A_91 = arith.constant 2000 : i32
      %parallel_loop3A_92 = arith.constant 16 : i32
      scf.for %parallel_loop3A_97 = %parallel_loop3A to %parallel_loop3A_91 step %parallel_loop3A_92  : i32 {
        %parallel_loop3A_98 = arith.addi %mul3A_57, %parallel_loop3A_97 : i32
        %parallel_loop3A_99 = arith.index_cast %parallel_loop3A_98 : i32 to index
        %parallel_loop3A_100 = tpu.vector_load %arg10[%parallel_loop3A_99] {strides = array<i32>} : memref<4000xi32, #tpu.memory_space<vmem>>, vector<16xi32>,
        %parallel_loop3A_101 = arith.constant 65535 : i32
        %parallel_loop3A_102 = vector.broadcast %parallel_loop3A_101 : i32 to vector<16xi32>
        %parallel_loop3A_103 = arith.andi %parallel_loop3A_100, %parallel_loop3A_102 : vector<16xi32>
        %parallel_loop3A_104 = arith.constant 16 : i32
        %parallel_loop3A_105 = vector.broadcast %parallel_loop3A_104 : i32 to vector<16xi32>
        %parallel_loop3A_106 = arith.shrui %parallel_loop3A_100, %parallel_loop3A_105 : vector<16xi32>
        %parallel_loop3A_107 = tpu.vector_load_idx %arg16[%parallel_loop3A_103] : memref<50000xi32, #tpu.memory_space<vmem>>[vector<16xi32>], vector<16xi32>,
        %parallel_loop3A_108 = tpu.vector_load_idx %arg16[%parallel_loop3A_106] : memref<50000xi32, #tpu.memory_space<vmem>>[vector<16xi32>], vector<16xi32>,
        %parallel_loop3A_109 = tpu.vector_load_idx %arg17[%parallel_loop3A_103] : memref<50000xi32, #tpu.memory_space<vmem>>[vector<16xi32>], vector<16xi32>,
        %parallel_loop3A_110 = arith.constant 65535 : i32
        %parallel_loop3A_111 = vector.broadcast %parallel_loop3A_110 : i32 to vector<16xi32>
        %parallel_loop3A_112 = arith.andi %parallel_loop3A_107, %parallel_loop3A_111 : vector<16xi32>
        %parallel_loop3A_113 = arith.constant 32768 : i32
        %parallel_loop3A_114 = vector.broadcast %parallel_loop3A_113 : i32 to vector<16xi32>
        %parallel_loop3A_115 = arith.andi %parallel_loop3A_112, %parallel_loop3A_114 : vector<16xi32>
        %parallel_loop3A_116 = arith.constant 16 : i32
        %parallel_loop3A_117 = vector.broadcast %parallel_loop3A_116 : i32 to vector<16xi32>
        %parallel_loop3A_118 = arith.shli %parallel_loop3A_115, %parallel_loop3A_117 : vector<16xi32>
        %parallel_loop3A_119 = arith.constant 32767 : i32
        %parallel_loop3A_120 = vector.broadcast %parallel_loop3A_119 : i32 to vector<16xi32>
        %parallel_loop3A_121 = arith.andi %parallel_loop3A_112, %parallel_loop3A_120 : vector<16xi32>
        %parallel_loop3A_122 = arith.constant 13 : i32
        %parallel_loop3A_123 = vector.broadcast %parallel_loop3A_122 : i32 to vector<16xi32>
        %parallel_loop3A_124 = arith.shli %parallel_loop3A_121, %parallel_loop3A_123 : vector<16xi32>
        %parallel_loop3A_125 = arith.ori %parallel_loop3A_118, %parallel_loop3A_124 : vector<16xi32>
        %parallel_loop3A_126 = vector.bitcast %parallel_loop3A_125 : vector<16xi32> to vector<16xf32>
        %parallel_loop3A_127 = arith.constant 5.19229686E+33 : f32
        %parallel_loop3A_128 = vector.broadcast %parallel_loop3A_127 : f32 to vector<16xf32>
        %parallel_loop3A_129 = arith.mulf %parallel_loop3A_126, %parallel_loop3A_128 : vector<16xf32>
        %parallel_loop3A_130 = arith.constant 65535 : i32
        %parallel_loop3A_131 = vector.broadcast %parallel_loop3A_130 : i32 to vector<16xi32>
        %parallel_loop3A_132 = arith.andi %parallel_loop3A_108, %parallel_loop3A_131 : vector<16xi32>
        %parallel_loop3A_133 = arith.constant 32768 : i32
        %parallel_loop3A_134 = vector.broadcast %parallel_loop3A_133 : i32 to vector<16xi32>
        %parallel_loop3A_135 = arith.andi %parallel_loop3A_132, %parallel_loop3A_134 : vector<16xi32>
        %parallel_loop3A_136 = arith.constant 16 : i32
        %parallel_loop3A_137 = vector.broadcast %parallel_loop3A_136 : i32 to vector<16xi32>
        %parallel_loop3A_138 = arith.shli %parallel_loop3A_135, %parallel_loop3A_137 : vector<16xi32>
        %parallel_loop3A_139 = arith.constant 32767 : i32
        %parallel_loop3A_140 = vector.broadcast %parallel_loop3A_139 : i32 to vector<16xi32>
        %parallel_loop3A_141 = arith.andi %parallel_loop3A_132, %parallel_loop3A_140 : vector<16xi32>
        %parallel_loop3A_142 = arith.constant 13 : i32
        %parallel_loop3A_143 = vector.broadcast %parallel_loop3A_142 : i32 to vector<16xi32>
        %parallel_loop3A_144 = arith.shli %parallel_loop3A_141, %parallel_loop3A_143 : vector<16xi32>
        %parallel_loop3A_145 = arith.ori %parallel_loop3A_138, %parallel_loop3A_144 : vector<16xi32>
        %parallel_loop3A_146 = vector.bitcast %parallel_loop3A_145 : vector<16xi32> to vector<16xf32>
        %parallel_loop3A_147 = arith.constant 5.19229686E+33 : f32
        %parallel_loop3A_148 = vector.broadcast %parallel_loop3A_147 : f32 to vector<16xf32>
        %parallel_loop3A_149 = arith.mulf %parallel_loop3A_146, %parallel_loop3A_148 : vector<16xf32>
        %parallel_loop3A_150 = arith.constant -65536 : i32
        %parallel_loop3A_151 = vector.broadcast %parallel_loop3A_150 : i32 to vector<16xi32>
        %parallel_loop3A_152 = arith.andi %parallel_loop3A_107, %parallel_loop3A_151 : vector<16xi32>
        %parallel_loop3A_153 = vector.bitcast %parallel_loop3A_152 : vector<16xi32> to vector<16xf32>
        %parallel_loop3A_154 = arith.constant 16 : i32
        %parallel_loop3A_155 = vector.broadcast %parallel_loop3A_154 : i32 to vector<16xi32>
        %parallel_loop3A_156 = arith.shli %parallel_loop3A_109, %parallel_loop3A_155 : vector<16xi32>
        %parallel_loop3A_157 = vector.bitcast %parallel_loop3A_156 : vector<16xi32> to vector<16xf32>
        %parallel_loop3A_158 = arith.constant -65536 : i32
        %parallel_loop3A_159 = vector.broadcast %parallel_loop3A_158 : i32 to vector<16xi32>
        %parallel_loop3A_160 = arith.andi %parallel_loop3A_109, %parallel_loop3A_159 : vector<16xi32>
        %parallel_loop3A_161 = vector.bitcast %parallel_loop3A_160 : vector<16xi32> to vector<16xf32>
        %parallel_loop3A_162 = arith.index_cast %parallel_loop3A_98 : i32 to index
        %parallel_loop3A_163 = tpu.vector_load %arg11[%parallel_loop3A_162] {strides = array<i32>} : memref<4000xf32, #tpu.memory_space<vmem>>, vector<16xf32>,
        %parallel_loop3A_164 = arith.index_cast %parallel_loop3A_98 : i32 to index
        %parallel_loop3A_165 = tpu.vector_load %arg12[%parallel_loop3A_164] {strides = array<i32>} : memref<4000xf32, #tpu.memory_space<vmem>>, vector<16xf32>,
        %parallel_loop3A_166 = arith.index_cast %parallel_loop3A_98 : i32 to index
        %parallel_loop3A_167 = tpu.vector_load %arg13[%parallel_loop3A_166] {strides = array<i32>} : memref<4000xf32, #tpu.memory_space<vmem>>, vector<16xf32>,
        %parallel_loop3A_168 = arith.index_cast %parallel_loop3A_98 : i32 to index
        %parallel_loop3A_169 = tpu.vector_load %arg14[%parallel_loop3A_168] {strides = array<i32>} : memref<4000xf32, #tpu.memory_space<vmem>>, vector<16xf32>,
        %parallel_loop3A_170 = arith.constant 1.000000e+00 : f32
        %parallel_loop3A_171 = vector.broadcast %parallel_loop3A_170 : f32 to vector<16xf32>
        %parallel_loop3A_172 = arith.divf %parallel_loop3A_171, %parallel_loop3A_163 : vector<16xf32>
        %parallel_loop3A_173 = arith.constant 0.0069444445 : f32
        %parallel_loop3A_174 = vector.broadcast %parallel_loop3A_173 : f32 to vector<16xf32>
        %parallel_loop3A_175 = arith.mulf %parallel_loop3A_163, %parallel_loop3A_174 : vector<16xf32>
        %parallel_loop3A_176 = arith.constant 0.166666672 : f32
        %parallel_loop3A_177 = vector.broadcast %parallel_loop3A_176 : f32 to vector<16xf32>
        %parallel_loop3A_178 = arith.subf %parallel_loop3A_177, %parallel_loop3A_175 : vector<16xf32>
        %parallel_loop3A_179 = arith.mulf %parallel_loop3A_129, %parallel_loop3A_149 : vector<16xf32>
        %parallel_loop3A_180 = arith.subf %parallel_loop3A_172, %parallel_loop3A_178 : vector<16xf32>
        %parallel_loop3A_181 = arith.mulf %parallel_loop3A_179, %parallel_loop3A_180 : vector<16xf32>
        %parallel_loop3A_182 = arith.mulf %parallel_loop3A_172, %parallel_loop3A_172 : vector<16xf32>
        %parallel_loop3A_183 = arith.mulf %parallel_loop3A_178, %parallel_loop3A_178 : vector<16xf32>
        %parallel_loop3A_184 = arith.mulf %parallel_loop3A_165, %parallel_loop3A_157 : vector<16xf32>
        %parallel_loop3A_185 = arith.mulf %parallel_loop3A_167, %parallel_loop3A_161 : vector<16xf32>
        %parallel_loop3A_186 = arith.addf %parallel_loop3A_184, %parallel_loop3A_185 : vector<16xf32>
        %parallel_loop3A_187 = arith.mulf %parallel_loop3A_169, %parallel_loop3A_153 : vector<16xf32>
        %parallel_loop3A_188 = arith.addf %parallel_loop3A_186, %parallel_loop3A_187 : vector<16xf32>
        %parallel_loop3A_189 = arith.mulf %parallel_loop3A_188, %parallel_loop3A_172 : vector<16xf32>
        %parallel_loop3A_190 = arith.mulf %parallel_loop3A_149, %parallel_loop3A_189 : vector<16xf32>
        %parallel_loop3A_191 = arith.subf %parallel_loop3A_182, %parallel_loop3A_183 : vector<16xf32>
        %parallel_loop3A_192 = arith.mulf %parallel_loop3A_190, %parallel_loop3A_191 : vector<16xf32>
        %parallel_loop3A_193 = arith.addf %parallel_loop3A_181, %parallel_loop3A_192 : vector<16xf32>
        %parallel_loop3A_194 = arith.constant 9.600000e+00 : f32
        %parallel_loop3A_195 = vector.broadcast %parallel_loop3A_194 : f32 to vector<16xf32>
        %parallel_loop3A_196 = arith.subf %parallel_loop3A_163, %parallel_loop3A_195 : vector<16xf32>
        %parallel_loop3A_197 = arith.constant 0.416666657 : f32
        %parallel_loop3A_198 = vector.broadcast %parallel_loop3A_197 : f32 to vector<16xf32>
        %parallel_loop3A_199 = arith.mulf %parallel_loop3A_196, %parallel_loop3A_198 : vector<16xf32>
        %parallel_loop3A_200 = arith.constant 0.000000e+00 : f32
        %parallel_loop3A_201 = vector.broadcast %parallel_loop3A_200 : f32 to vector<16xf32>
        %parallel_loop3A_202 = arith.maximumf %parallel_loop3A_199, %parallel_loop3A_201 : vector<16xf32>
        %parallel_loop3A_203 = arith.constant 1.000000e+00 : f32
        %parallel_loop3A_204 = vector.broadcast %parallel_loop3A_203 : f32 to vector<16xf32>
        %parallel_loop3A_205 = arith.minimumf %parallel_loop3A_202, %parallel_loop3A_204 : vector<16xf32>
        %parallel_loop3A_206 = arith.mulf %parallel_loop3A_205, %parallel_loop3A_205 : vector<16xf32>
        %parallel_loop3A_207 = arith.mulf %parallel_loop3A_206, %parallel_loop3A_205 : vector<16xf32>
        %parallel_loop3A_208 = arith.constant 6.000000e+00 : f32
        %parallel_loop3A_209 = vector.broadcast %parallel_loop3A_208 : f32 to vector<16xf32>
        %parallel_loop3A_210 = arith.mulf %parallel_loop3A_209, %parallel_loop3A_205 : vector<16xf32>
        %parallel_loop3A_211 = arith.constant 1.500000e+01 : f32
        %parallel_loop3A_212 = vector.broadcast %parallel_loop3A_211 : f32 to vector<16xf32>
        %parallel_loop3A_213 = arith.subf %parallel_loop3A_212, %parallel_loop3A_210 : vector<16xf32>
        %parallel_loop3A_214 = arith.mulf %parallel_loop3A_205, %parallel_loop3A_213 : vector<16xf32>
        %parallel_loop3A_215 = arith.constant -1.000000e+01 : f32
        %parallel_loop3A_216 = vector.broadcast %parallel_loop3A_215 : f32 to vector<16xf32>
        %parallel_loop3A_217 = arith.addf %parallel_loop3A_216, %parallel_loop3A_214 : vector<16xf32>
        %parallel_loop3A_218 = arith.mulf %parallel_loop3A_207, %parallel_loop3A_217 : vector<16xf32>
        %parallel_loop3A_219 = arith.constant 1.000000e+00 : f32
        %parallel_loop3A_220 = vector.broadcast %parallel_loop3A_219 : f32 to vector<16xf32>
        %parallel_loop3A_221 = arith.addf %parallel_loop3A_220, %parallel_loop3A_218 : vector<16xf32>
        %parallel_loop3A_222 = arith.constant 14.3996449 : f32
        %parallel_loop3A_223 = vector.broadcast %parallel_loop3A_222 : f32 to vector<16xf32>
        %parallel_loop3A_224 = arith.mulf %parallel_loop3A_223, %parallel_loop3A_193 : vector<16xf32>
        %parallel_loop3A_225 = arith.mulf %parallel_loop3A_224, %parallel_loop3A_221 : vector<16xf32>
        %parallel_loop3A_226 = arith.index_cast %parallel_loop3A_98 : i32 to index
        %parallel_loop3A_227 = tpu.vector_load %arg15[%parallel_loop3A_226] {strides = array<i32>} : memref<4000xf32, #tpu.memory_space<vmem>>, vector<16xf32>,
        tpu.vector_store %arg15[%parallel_loop3A_226], %parallel_loop3A_225 {strides = array<i32>} : memref<4000xf32, #tpu.memory_space<vmem>>, vector<16xf32>,
      } {sc.loop_unroll_factor = 4 : i64, sc.parallel_access}
      %dma_start3A_93 = tpu.memref_slice %arg15[%mul3A_57] : memref<4000xf32, #tpu.memory_space<vmem>> -> memref<2000xf32, #tpu.memory_space<vmem>>
      %dma_start3A_94 = tpu.memref_slice %arg9[%add3A_62] : memref<1600000xf32, #tpu.memory_space<hbm>> -> memref<2000xf32, #tpu.memory_space<hbm>>
      %dma_start3A_95 = tpu.memref_slice %arg9[%add3A_62] : memref<1600000xf32, #tpu.memory_space<hbm>> -> memref<2000xf32, #tpu.memory_space<hbm>>
      %dma_start3A_96 = tpu.memref_slice %arg15[%mul3A_57] : memref<4000xf32, #tpu.memory_space<vmem>> -> memref<2000xf32, #tpu.memory_space<vmem>>
      tpu.enqueue_dma source(%dma_start3A_96 : memref<2000xf32, #tpu.memory_space<vmem>>) target(%dma_start3A_95 : memref<2000xf32, #tpu.memory_space<hbm>>) target_semaphore(%arg19 : memref<!tpu.dma_semaphore, #tpu.memory_space<semaphore_mem>>)
    }
    %scan3A_38 = arith.constant 25 : i32
    %dma_wait3A = arith.constant 0 : i32
    %dma_wait3A_39 = tpu.memref_slice %arg15[%dma_wait3A] : memref<4000xf32, #tpu.memory_space<vmem>> -> memref<2000xf32, #tpu.memory_space<vmem>>
    %dma_wait3A_40 = arith.constant 0 : i32
    %dma_wait3A_41 = tpu.memref_slice %arg9[%dma_wait3A_40] : memref<1600000xf32, #tpu.memory_space<hbm>> -> memref<2000xf32, #tpu.memory_space<hbm>>
    %dma_wait3A_42 = arith.constant 0 : i32
    %dma_wait3A_43 = tpu.memref_slice %arg9[%dma_wait3A_42] : memref<1600000xf32, #tpu.memory_space<hbm>> -> memref<2000xf32, #tpu.memory_space<hbm>>
    %dma_wait3A_44 = arith.constant 0 : i32
    %dma_wait3A_45 = tpu.memref_slice %arg15[%dma_wait3A_44] : memref<4000xf32, #tpu.memory_space<vmem>> -> memref<2000xf32, #tpu.memory_space<vmem>>
    tpu.wait_dma2 semaphore(%arg19 : memref<!tpu.dma_semaphore, #tpu.memory_space<semaphore_mem>>) src(%dma_wait3A_45 : memref<2000xf32, #tpu.memory_space<vmem>>) dst(%dma_wait3A_43 : memref<2000xf32, #tpu.memory_space<hbm>>)
    %dma_wait3A_46 = arith.constant 0 : i32
    %dma_wait3A_47 = tpu.memref_slice %arg15[%dma_wait3A_46] : memref<4000xf32, #tpu.memory_space<vmem>> -> memref<2000xf32, #tpu.memory_space<vmem>>
    %dma_wait3A_48 = arith.constant 0 : i32
    %dma_wait3A_49 = tpu.memref_slice %arg9[%dma_wait3A_48] : memref<1600000xf32, #tpu.memory_space<hbm>> -> memref<2000xf32, #tpu.memory_space<hbm>>
    %dma_wait3A_50 = arith.constant 0 : i32
    %dma_wait3A_51 = tpu.memref_slice %arg9[%dma_wait3A_50] : memref<1600000xf32, #tpu.memory_space<hbm>> -> memref<2000xf32, #tpu.memory_space<hbm>>
    %dma_wait3A_52 = arith.constant 0 : i32
    %dma_wait3A_53 = tpu.memref_slice %arg15[%dma_wait3A_52] : memref<4000xf32, #tpu.memory_space<vmem>> -> memref<2000xf32, #tpu.memory_space<vmem>>
    tpu.wait_dma2 semaphore(%arg19 : memref<!tpu.dma_semaphore, #tpu.memory_space<semaphore_mem>>) src(%dma_wait3A_53 : memref<2000xf32, #tpu.memory_space<vmem>>) dst(%dma_wait3A_51 : memref<2000xf32, #tpu.memory_space<hbm>>)
    return
  }
}

</mosaic_0001>

<sc_bundles>
// kernel: kernel.3.cloned.1.call-start
scs
__scs_entry_jumppad:
0x0: {  	(pc) =	sbr.rel $0x88, $3  }
0x1: {  	(tag) =	ssettag $0x0;
	lr =	simm.s32 $0x1  }
0x2: {  	[smem:$0x3F9B] =	sst lr;
	_ =	strace $0xD0000000  }
0x3: {  	_ = 	snop  }
0x4: {  	_ = 	snop  }
0x5: {  	_ = 	snop  }
0x6: {  	_ = 	snop  }
0x7: {  	_ = 	snop  }
__scs_overlays_trampoline_lowered:
0x8: {  	[smem:$0x3FAA] =	sst s0  }
0x9: {  	[smem:$0x3FAB] =	sst s1  }
0xa: {  	[smem:$0x3FAC] =	sst s2  }
0xb: {  	[smem:$0x3FAD] =	sst s3  }
0xc: {  	[smem:$0x3FAE] =	sst s4  }
0xd: {  	[smem:$0x3FAF] =	sst s5  }
0xe: {  	[smem:$0x3FB0] =	sst s6  }
0xf: {  	[smem:$0x3FB1] =	sst s7  }
0x10: {  	[smem:$0x3FB2] =	sst s8  }
0x11: {  	[smem:$0x3FB3] =	sst s9;
	s0 =	simm.s32 @!p0 $0x0  }
0x12: {  	s1 =	sld [smem:$0x3F99];
	s0 =	simm.s32 @p0 $0x1  }
0x13: {  	[smem:$0x3FB4] =	sst s0;
	s0 =	simm.s32 @!p1 $0x0  }
0x14: {  	s2 =	sld [smem:$0x3F98];
	s0 =	simm.s32 @p1 $0x1  }
0x15: {  	[smem:$0x3FB5] =	sst s0;
	s0 =	simm.s32 @!p2 $0x0  }
0x16: {  	s3 =	sld [smem:$0x3FDB];
	s0 =	simm.s32 @p2 $0x1  }
0x17: {  	s4 =	simm.s32 $0x1BF5;
	[smem:$0x3FB7] =	sst s0  }
0x18: {  	s0 =	sld [smem:$0x3F9A];
	_ =	swait.ge [sflag:s4], $0x0  }
0x19: {  	s7 =	sld [smem:$0x3F9B]  }
0x1a: {  	s8 =	sadd.s32 $0xFFFFE003, lr  }
0x1b: {  	s9 =	sadd.s32 $0xFFFFFEF7, lr;
	s5 =	simm.s32 $0xFFFFFFFF;
	p2 =	slt.u32 s8, $0xFFFFF086  }
0x1c: {  	p1 =	slt.u32 s9, $0xF7A;
	s5 =	simm.s32 @!p2 $0x0  }
0x1d: {  	s5 =	simm.s32 @p1 $0x1;
	p0 =	seq.s32 s7, s2  }
0x1e: {  	s7 =	smul.u32 @!p0 $0xF7A, s2;
	p2 =	seq.s32 @!p0 s5, $0x0  }
0x1f: {  	s9 =	smul.u32 $0xF7A, s1;
	s8 =	simm.s32 @!p0 $0x1BF5;
	p2 =	por !p2, p0  }
0x20: {  	[sflag:s8] =	ssyncset.s32 @!p0 $0xFFFFF086;
	s6 =	sadd.s32 @!p0 s3, s7;
	s7 =	simm.s32 @!p0 $0x108  }
0x21: {  	s3 =	sadd.s32 s3, s9;
	s6 =	sadd.s32 @!p0 $0x88, s6;
	s7 =	simm.s32 @p2 $0x1082  }
0x22: {  	[simem:s7], [sflag:s8] =	dma.local @!p0 [hbm:s6], $0xF7A  }
0x23: {  	s9 =	sor.u32 $0xD0000000, s2;
	s6 =	simm.s32 $0x108;
	_ =	swait.ge @!p0 [sflag:s8], $0x0  }
0x24: {  	s3 =	sadd.s32 $0x88, s3;
	s6 =	simm.s32 @!p1 $0x1082;
	[sflag:s4] =	ssyncset.s32 $0xFFFFF086  }
0x25: {  	[simem:s6], [sflag:s4] =	dma.local [hbm:s3], $0xF7A  }
0x26: {  	[smem:$0x3F9B] =	sst s1;
	(tag) =	ssettag s2;
	_ =	strace s9  }
0x27: {  	s1 =	sld [smem:$0x3FAB]  }
0x28: {  	s2 =	sld [smem:$0x3FAC]  }
0x29: {  	s4 =	sld [smem:$0x3FAE]  }
0x2a: {  	p0 =	seq.s32 s5, $0x0;
	s5 =	sld [smem:$0x3FAF]  }
0x2b: {  	s6 =	sld [smem:$0x3FB0]  }
0x2c: {  	s7 =	sld [smem:$0x3FB1]  }
0x2d: {  	s3 =	simm.s32 $0x108;
	s8 =	sld [smem:$0x3FB2]  }
0x2e: {  	s3 =	simm.s32 @!p0 $0x1082;
	s9 =	sld [smem:$0x3FB3]  }
0x2f: {  	lr =	sadd.s32 s0, s3;
	s0 =	sld [smem:$0x3FAA]  }
0x30: {  	s3 =	sld [smem:$0x3FAD]  }
0x31: {  	[smem:$0x3FB6] =	sst s10  }
0x32: {  	s10 =	sld [smem:$0x3FB4];
	_ =	sdelay $0x3  }
0x33: {  	p0 =	seq.s32 s10, $0x1;
	s10 =	sld [smem:$0x3FB6];
	_ =	sdelay $0x3  }
0x34: {  	[smem:$0x3FB6] =	sst s10  }
0x35: {  	s10 =	sld [smem:$0x3FB5];
	_ =	sdelay $0x3  }
0x36: {  	p1 =	seq.s32 s10, $0x1;
	s10 =	sld [smem:$0x3FB6];
	_ =	sdelay $0x3  }
0x37: {  	[smem:$0x3FB6] =	sst s10  }
0x38: {  	s10 =	sld [smem:$0x3FB7]  }
0x39: {  	_ = 	snop;
	(pc) =	sbr.ind lr, $3  }
0x3a: {  	_ = 	snop  }
0x3b: {  	_ = 	snop  }
0x3c: {  	p2 =	seq.s32 s10, $0x1;
	s10 =	sld [smem:$0x3FB6]  }
0x3d: {  	_ =	shalt  }
0x3e: {  	_ =	shalt  }
0x3f: {  	_ =	shalt  }
0x40: {  	_ =	shalt  }
0x41: {  	_ =	shalt  }
0x42: {  	_ =	shalt  }
0x43: {  	_ =	shalt  }
0x44: {  	_ =	shalt  }
0x45: {  	_ =	shalt  }
0x46: {  	_ =	shalt  }
0x47: {  	_ =	shalt  }
0x48: {  	_ =	shalt  }
0x49: {  	_ =	shalt  }
0x4a: {  	_ =	shalt  }
0x4b: {  	_ =	shalt  }
0x4c: {  	_ =	shalt  }
0x4d: {  	_ =	shalt  }
0x4e: {  	_ =	shalt  }
0x4f: {  	_ =	shalt  }
0x50: {  	_ =	shalt  }
0x51: {  	_ =	shalt  }
0x52: {  	_ =	shalt  }
0x53: {  	_ =	shalt  }
0x54: {  	_ =	shalt  }
0x55: {  	_ =	shalt  }
0x56: {  	_ =	shalt  }
0x57: {  	_ =	shalt  }
0x58: {  	_ =	shalt  }
0x59: {  	_ =	shalt  }
0x5a: {  	_ =	shalt  }
0x5b: {  	_ =	shalt  }
0x5c: {  	_ =	shalt  }
0x5d: {  	_ =	shalt  }
0x5e: {  	_ =	shalt  }
0x5f: {  	_ =	shalt  }
0x60: {  	_ =	shalt  }
0x61: {  	_ =	shalt  }
0x62: {  	_ =	shalt  }
0x63: {  	_ =	shalt  }
0x64: {  	_ =	shalt  }
0x65: {  	_ =	shalt  }
0x66: {  	_ =	shalt  }
0x67: {  	_ =	shalt  }
0x68: {  	_ =	shalt  }
0x69: {  	_ =	shalt  }
0x6a: {  	_ =	shalt  }
0x6b: {  	_ =	shalt  }
0x6c: {  	_ =	shalt  }
0x6d: {  	_ =	shalt  }
0x6e: {  	_ =	shalt  }
0x6f: {  	_ =	shalt  }
0x70: {  	_ =	shalt  }
0x71: {  	_ =	shalt  }
0x72: {  	_ =	shalt  }
0x73: {  	_ =	shalt  }
0x74: {  	_ =	shalt  }
0x75: {  	_ =	shalt  }
0x76: {  	_ =	shalt  }
0x77: {  	_ =	shalt  }
0x78: {  	_ =	shalt  }
0x79: {  	_ =	shalt  }
0x7a: {  	_ =	shalt  }
0x7b: {  	_ =	shalt  }
0x7c: {  	_ =	shalt  }
0x7d: {  	_ =	shalt  }
0x7e: {  	_ =	shalt  }
0x7f: {  	_ =	shalt  }
0x80: {  	_ =	shalt  }
0x81: {  	_ =	shalt  }
0x82: {  	_ =	shalt  }
0x83: {  	_ =	shalt  }
0x84: {  	_ =	shalt  }
0x85: {  	_ =	shalt  }
0x86: {  	_ =	shalt  }
0x87: {  	_ =	shalt  }
.Lfunc_end0:
.L_simem_size_0:
called_computation_lowered:
.L_overlay_start_0:
0x88: {  	s2 =	sld [smem:$0x3FD9]  }
0x89: {  	s3 =	sld [smem:$0x3FFE];
	_ =	sdelay $0x1  }
0x8a: {  	s1 =	srdreg.scid  }
0x8b: {  	s0 =	sand.u32 $0x1, s1  }
0x8c: {  	s17 =	sshll.u32 s0, $0xA;
	s2 =	sadd.s32 s3, s2  }
0x8d: {  	s2 =	sadd.s32 s2, s17  }
0x8e: {  	[smem:$0x3FC2] =	sst s2  }
0x8f: {  	_ = 	snop  }
0x90: {  	s2 =	sld [smem:$0x3FC9]  }
0x91: {  	s18 =	sld [smem:$0x3FD0];
	(tm) =	ssettm $0x1  }
0x92: {  	s4 =	sld [smem:$0x3FFB];
	_ =	sdelay $0x3  }
0x93: {  	_ =	strace s4  }
0x94: {  	s4 =	sld [smem:$0x3FFC];
	_ =	sdelay $0x3  }
0x95: {  	_ =	strace s4  }
0x96: {  	s4 =	sld [smem:$0x3FFD];
	_ =	sdelay $0x3  }
0x97: {  	_ =	strace s4  }
0x98: {  	_ =	strace $0x8FFFFFFF  }
0x99: {  	s19 =	sld [smem:$0x3FDB];
	_ =	sdelay $0x1  }
0x9a: {  	s5 =	simm.s32 $_scs_section_size  }
0x9b: {  	s6 =	simm.s32 $_size__tile_overlayer_lowered;
	s7 =	simm.s32 $_tile_overlayer_lowered  }
0x9c: {  	s22 =	simm.s32 $0x1BFF;
	s21 =	sshll.u32 s7, $0x1;
	s4 =	sadd.s32 s5, s19  }
0x9d: {  	s8 =	simm.s32 $0x0;
	s20 =	sshll.u32 s6, $0x1;
	s6 =	sadd.s32 s21, s4  }
0x9e: {  	[timem:s8], [sflag:s22] =	dma.local [hbm:s6], s20  }
0x9f: {  	_ =	swait.ge [sflag:s22], s20  }
0xa0: {  	s5 =	ssub.s32 $0x0, s20;
	[sflag:s22] =	ssyncset.done $0x0  }
0xa1: {  	[sflag:s22] =	ssyncadd.s32 s5;
	_ =	sdelay $0x1  }
0xa2: {  	s23 =	simm.s32 $0x1B8B  }
0xa3: {  	_ =	swait.ge [sflag:s23], $0x1  }
0xa4: {  	[sflag:s23] =	ssyncset.done $0x0  }
0xa5: {  	s25 =	simm.s32 $0x1B8E;
	s24 =	sld [smem:$0x3FFE];
	[sflag:s23] =	ssyncadd.s32 $0xFFFFFFFF  }
0xa6: {  	s26 =	simm.s32 $execute0_lowered;
	[smem:$0x3FD2] =	sst s25  }
0xa7: {  	s6 =	sshll.u32 s26, $0x1;
	_ =	strace $0x80000046;
	[dreg:$0x1] =	wrdreg $0xFFFFFFFF  }
0xa8: {  	s28 =	simm.s32 $_size_execute0_lowered;
	s4 =	sadd.s32 s4, s6;
	[dreg:$0x0] =	wrdreg $0x0  }
0xa9: {  	s6 =	sshll.u32 s28, $0x1;
	[dreg:$0x2] =	wrdreg s4  }
0xaa: {  	[dreg:$0x3] =	wrdreg s6  }
0xab: {  	[dreg:$0x4] =	wrdreg $0xC0  }
0xac: {  	_ =	task [dreg:s8], $0x5FFFF  }
0xad: {  	[dreg:$0x1] =	wrdreg $0xFFFFFFFF  }
0xae: {  	[dreg:$0x0] =	wrdreg $0x60  }
0xaf: {  	[dreg:$0x2] =	wrdreg s24  }
0xb0: {  	[dreg:$0x3] =	wrdreg s2  }
0xb1: {  	[dreg:$0x4] =	wrdreg s18  }
0xb2: {  	[dreg:$0x5] =	wrdreg $0x9  }
0xb3: {  	_ =	task.clear_ibuf [dreg:s8], $0x6FFFF;
	_ =	strace $0x90000046  }
0xb4: {  	s29 =	simm.s32 $0x9;
	_ =	strace $0x80000048  }
0xb5: {  	_ =	swait.ge [sflag:s29], $0x1  }
0xb6: {  	[sflag:s29] =	ssyncadd.s32 $0xFFFFFFFF  }
0xb7: {  	_ =	strace $0x90000048  }
0xb8: {  	_ =	sfence  }
0xb9: {  	s30 =	sld [smem:$0x0];
	_ =	sdelay $0x2  }
0xba: {  	s31 =	sshll.u32 s1, $0xD;
	s1 =	sshrl.u32 s1, $0x2  }
0xbb: {  	s3 =	sand.u32 $0x4000, s31;
	s1 =	sadd.s32 s1, s30  }
0xbc: {  	s0 =	sor.u32 s3, s0;
	s1 =	sshll.u32 s1, $0x11  }
0xbd: {  	s0 =	sor.u32 s1, s0  }
0xbe: {  	s0 =	sadd.s32 $0x8F2B, s0  }
0xbf: {  	[sflag:s0] =	ssyncadd.remote.s32 $0x1  }
0xc0: {  	_ =	sfence.sel $0xFFFF  }
0xc1: {  	[dreg:$0x0] =	wrdreg $0xFFFFFFFF;
	(pc) =	sbr.abs _section_cstart, $3  }
0xc2: {  	[dreg:$0x1] =	wrdreg $0xFFFFFFFF  }
0xc3: {  	_ =	task.clear_ibuf [dreg:s8], $0x2FFFF;
	_ =	strace $0x9FFFFFFF  }
0xc4: {  	(tm) =	ssettm $0x7FFFFFFF  }
0xc5: {  	_ =	shalt  }
tec
execute0_lowered:
.L_overlay_start_1:
0x0: {  	(tag) =	ssettag $0x1  }
0x1: {  	s11 =	rddreg [dreg:$0x0]  }
0x2: {  	s3 =	rddreg [dreg:$0x1]  }
0x3: {  	s4 =	rddreg [dreg:$0x2];
	s0 =	srdreg.scid  }
0x4: {  	s1 =	stileid.u32;
	s5 =	simm.s32 $0x0;
	s18 =	simm.s32 $0x5DC0  }
0x5: {  	s19 =	simm.s32 $0x3;
	s20 =	simm.s32 $0x12110;
	s25 =	simm.s32 $0x1  }
0x6: {  	s26 =	simm.s32 $0x2;
	s28 =	simm.s32 $0x0;
	s0 =	sand.u32 $0x1, s0  }
0x7: {  	s1 =	sshll.u32 s1, $0x1;
	[smem:$0x7FF] =	sst s5;
	s6 =	sadd.s32 $0x95E00, s11  }
0x8: {  	s8 =	sadd.s32 $0x63600, s11;
	s9 =	sadd.s32 $0x32800, s11;
	s1 =	sor.u32 s0, s1  }
0x9: {  	s10 =	sadd.s32 $0x1A00, s11;
	s0 =	ssub.s32 $0x2, s0;
	s7 =	smul.u32 $0xC350, s1  }
0xa: {  	s11 =	sadd.s32 $0x94400, s11;
	_ =	strace $0x80000047;
	s31 =	sshrl.u32 s0, $0x1  }
0xb: {  	[dreg:$0x4] =	wrdreg s11;
	s0 =	ssub.s32 s0, s31;
	s2 =	sshrl.u32 s7, $0x3  }
0xc: {  	s17 =	smax.u32 s0, $0x1;
	s12 =	sadd.s32 s6, s2;
	s13 =	sadd.s32 s3, s2  }
0xd: {  	s14 =	sadd.s32 s8, s2;
	s15 =	sadd.s32 s9, s2;
	s16 =	sadd.s32 s10, s2  }
.LBB2_1:
0xe: {  	s0 =	rddreg [dreg:$0x4]  }
0xf: {  	[tilespmem:s18], [sflag:$0x3] =	stream.linear.gather [hbm4b:s0+s5], $0xC350, $0x38;
	[tilespmem:$0x1E460] =	vst v63  }
0x10: {  	_ =	swait.ge [sflag:s19], $0xC350  }
0x11: {  	[sflag:s19] =	ssyncset.done $0x0  }
0x12: {  	[sflag:s19] =	ssyncadd.s32 $0xFFFF3CB0  }
0x13: {  	s22 =	rddreg [dreg:$0x0]  }
0x14: {  	[tilespmem:s20], [sflag:$0x3] =	stream.linear.gather [hbm4b:s22+s5], $0xC350, $0x38;
	[tilespmem:$0x1E460] =	vst v63  }
0x15: {  	_ =	swait.ge [sflag:s19], $0xC350  }
0x16: {  	[sflag:s19] =	ssyncset.done $0x0  }
0x17: {  	[sflag:s19] =	ssyncadd.s32 $0xFFFF3CB0  }
0x18: {  	[tilespmem:s5], [sflag:$0x1] =	stream.linear.gather [hbm4b:s12+s5], $0x7D0, $0x38;
	[tilespmem:$0x1E460] =	vst v63  }
0x19: {  	s23 =	simm.s32 $0xFA0  }
0x1a: {  	[tilespmem:s23], [sflag:$0x1] =	stream.linear.gather [hbm4b:s13+s5], $0x7D0, $0x38;
	[tilespmem:$0x1E460] =	vst v63  }
0x1b: {  	s24 =	simm.s32 $0x1F40  }
0x1c: {  	[tilespmem:s24], [sflag:$0x1] =	stream.linear.gather [hbm4b:s14+s5], $0x7D0, $0x38;
	[tilespmem:$0x1E460] =	vst v63  }
0x1d: {  	s30 =	simm.s32 $0x2EE0  }
0x1e: {  	[tilespmem:s30], [sflag:$0x1] =	stream.linear.gather [hbm4b:s15+s5], $0x7D0, $0x38;
	[tilespmem:$0x1E460] =	vst v63  }
0x1f: {  	s31 =	simm.s32 $0x3E80;
	s29 =	simm.s32 $0x0  }
0x20: {  	[tilespmem:s31], [sflag:$0x1] =	stream.linear.gather [hbm4b:s16+s5], $0x7D0, $0x38;
	[tilespmem:$0x1E460] =	vst v63  }
.LBB2_2:
0x21: {  	s1 =	smov.u32 s29  }
0x22: {  	s29 =	sadd.s32 $0x1, s29;
	p0 =	seq.s32 s1, $0x18  }
0x23: {  	s0 =	smul.u32 @!p0 $0x7D0, s29  }
0x24: {  	s2 =	sand.u32 $0x1, s1  }
0x25: {  	s30 =	simm.s32 $0x7D0;
	p1 =	seq.s32 s2, $0x1;
	s0 =	sadd.s32 @!p0 s7, s0  }
0x26: {  	s30 =	simm.s32 @!p1 $0x0;
	s0 =	sshrl.u32 @!p0 s0, $0x3  }
0x27: {  	s21 =	simm.s32 @!p0 $0x0;
	s2 =	ssub.s32 @!p0 $0x7D0, s30;
	s11 =	sadd.s32 @!p0 s6, s0  }
0x28: {  	[tilespmem:s2], [sflag:$0x1] =	stream.linear.gather @!p0 [hbm4b:s11+s21], $0x7D0, $0x38;
	[tilespmem:$0x1E460] =	vst v63  }
0x29: {  	s2 =	ssub.s32 @!p0 $0x1770, s30;
	s11 =	sadd.s32 @!p0 s3, s0  }
0x2a: {  	[tilespmem:s2], [sflag:$0x1] =	stream.linear.gather @!p0 [hbm4b:s11+s21], $0x7D0, $0x38;
	[tilespmem:$0x1E460] =	vst v63  }
0x2b: {  	s2 =	ssub.s32 @!p0 $0x2710, s30;
	s11 =	sadd.s32 @!p0 s8, s0  }
0x2c: {  	[tilespmem:s2], [sflag:$0x1] =	stream.linear.gather @!p0 [hbm4b:s11+s21], $0x7D0, $0x38;
	[tilespmem:$0x1E460] =	vst v63  }
0x2d: {  	s2 =	ssub.s32 @!p0 $0x36B0, s30;
	s11 =	sadd.s32 @!p0 s9, s0  }
0x2e: {  	[tilespmem:s2], [sflag:$0x1] =	stream.linear.gather @!p0 [hbm4b:s11+s21], $0x7D0, $0x38;
	[tilespmem:$0x1E460] =	vst v63  }
0x2f: {  	s0 =	sadd.s32 @!p0 s10, s0;
	s2 =	ssub.s32 @!p0 $0x4650, s30  }
0x30: {  	[tilespmem:s2], [sflag:$0x1] =	stream.linear.gather @!p0 [hbm4b:s0+s21], $0x7D0, $0x38;
	[tilespmem:$0x1E460] =	vst v63  }
0x31: {  	_ =	swait.ge [sflag:s25], $0x7D0  }
0x32: {  	[sflag:s25] =	ssyncset.done $0x0  }
0x33: {  	[sflag:s25] =	ssyncadd.s32 $0xFFFFF830  }
0x34: {  	_ =	swait.ge [sflag:s25], $0x7D0  }
0x35: {  	[sflag:s25] =	ssyncset.done $0x0  }
0x36: {  	[sflag:s25] =	ssyncadd.s32 $0xFFFFF830  }
0x37: {  	_ =	swait.ge [sflag:s25], $0x7D0  }
0x38: {  	[sflag:s25] =	ssyncset.done $0x0  }
0x39: {  	[sflag:s25] =	ssyncadd.s32 $0xFFFFF830  }
0x3a: {  	_ =	swait.ge [sflag:s25], $0x7D0  }
0x3b: {  	[sflag:s25] =	ssyncset.done $0x0  }
0x3c: {  	s21 =	sshll.u32 s30, $0x2;
	[sflag:s25] =	ssyncadd.s32 $0xFFFFF830  }
0x3d: {  	s0 =	sshrl.u32 s21, $0x2;
	_ =	swait.ge [sflag:s25], $0x7D0  }
0x3e: {  	p0 =	slt.u32 s1, $0x2;
	v0 =	vmov s0;
	[sflag:s25] =	ssyncset.done $0x0  }
0x3f: {  	s0 =	simm.s32 @!p0 $0x2;
	[sflag:s25] =	ssyncadd.s32 $0xFFFFF830  }
0x40: {  	_ =	swait.ge @!p0 [sflag:s0], $0x7D0  }
0x41: {  	[sflag:s0] =	ssyncset.done @!p0 $0x0  }
0x42: {  	s22 =	simm.s32 $0x20;
	[sflag:s0] =	ssyncadd.s32 @!p0 $0xFFFFF830  }
0x43: {  	s23 =	simm.s32 $0xFD0;
	v1 =	vld.idx.msk [tilespmem:v0+s22+$0xFFFFFFF0 ss:$0x1], $0xffff  }
0x44: {  	v4 =	vld.idx.msk [tilespmem:v0+s23+$0xFFFFFFF0 ss:$0x1], $0xffff  }
0x45: {  	v2 =	vld.idx.msk [tilespmem:v0+s23+$0xFFFFFFD0 ss:$0x1], $0xffff  }
0x46: {  	v5 =	vld.idx.msk [tilespmem:v0+s23+$0xFFFFFFE0 ss:$0x1], $0xffff  }
0x47: {  	v7 =	vld.idx.msk [tilespmem:v0+s23+$0x0 ss:$0x1], $0xffff  }
0x48: {  	v9 =	vld.idx.msk [tilespmem:v0+s22+$0x10 ss:$0x1], $0xffff  }
0x49: {  	v3 =	vld.idx.msk [tilespmem:v0+s22+$0x0 ss:$0x1], $0xffff  }
0x4a: {  	v12 =	vld.idx.msk [tilespmem:v0+s22+$0xFFFFFFE0 ss:$0x1], $0xffff;
	v6 =	vshrl.u32 v1, $0x10;
	v8 =	vand.u32 $0xFFFF, v1  }
0x4b: {  	v10 =	vmul.f32 $6.944444500e-03, v4;
	v1 =	vadd.f32 $-9.600000380e+00, v4;
	v11 =	vmul.f32 $6.944444500e-03, v2  }
0x4c: {  	v13 =	vadd.f32 $-9.600000380e+00, v2;
	v14 =	vmul.f32 $6.944444500e-03, v5;
	v15 =	vadd.f32 $-9.600000380e+00, v5  }
0x4d: {  	v16 =	vadd.f32 $-9.600000380e+00, v7;
	v18 =	vshrl.u32 v9, $0x10;
	v9 =	vand.u32 $0xFFFF, v9  }
0x4e: {  	(erf) = vrcp.f32 v2;
	v48 =	vand.u32 $0xFFFF, v3;
	v20 =	vshrl.u32 v3, $0x10  }
0x4f: {  	v19 =	vmul.f32 $6.944444500e-03, v7;
	v22 =	vand.u32 $0xFFFF, v12;
	(erf) = vrcp.f32 v4;
	v17 =	vld.idx.msk [tilespmem:v8+s20+$0x0], $0xffff  }
0x50: {  	v12 =	vshrl.u32 v12, $0x10;
	v1 =	vmul.f32 $4.166666570e-01, v1;
	v2 =	vmul.f32 $4.166666570e-01, v13;
	v6 =	vld.idx.msk [tilespmem:v6+s18+$0x0], $0xffff  }
0x51: {  	v47 =	vmul.f32 $4.166666570e-01, v15;
	v11 =	vsub.f32 $1.666666720e-01, v11;
	v3 =	vsub.f32 $1.666666720e-01, v10;
	v8 =	vld.idx.msk [tilespmem:v8+s18+$0x0], $0xffff  }
0x52: {  	v16 =	vmul.f32 $4.166666570e-01, v16;
	(erf) = vrcp.f32 v5;
	v14 =	vsub.f32 $1.666666720e-01, v14;
	v31 =	vld.idx.msk [tilespmem:v9+s20+$0x0], $0xffff  }
0x53: {  	v13 =	vmax.f32 v47, $0.0e+00;
	v2 =	vmax.f32 v2, $0.0e+00;
	v4 =	vmul.f32 v11, v11;
	v20 =	vld.idx.msk [tilespmem:v20+s18+$0x0], $0xffff  }
0x54: {  	v13 =	vmin.f32 v13, $1.000000000e+00;
	v26 =	vmin.f32 v2, $1.000000000e+00;
	v2 =	vmul.f32 v3, v3;
	v34 =	vld.idx.msk [tilespmem:v48+s20+$0x0], $0xffff  }
0x55: {  	v16 =	vmax.f32 v16, $0.0e+00;
	v15 =	vld.idx.msk [tilespmem:v48+s18+$0x0], $0xffff;
	v48 =	vmul.f32 v14, v14;
	v23 =	vmul.f32 v13, v13  }
0x56: {  	v32 =	vld.idx.msk [tilespmem:v22+s18+$0x0], $0xffff;
	v16 =	vmin.f32 v16, $1.000000000e+00;
	v24 =	vmul.f32 $6.000000000e+00, v13;
	v29 =	vmul.f32 v26, v26  }
0x57: {  	v19 =	vsub.f32 $1.666666720e-01, v19;
	v9 =	vld.idx.msk [tilespmem:v9+s18+$0x0], $0xffff;
	v49 =	vmul.f32 $6.000000000e+00, v26;
	v44 =	vmul.f32 $6.000000000e+00, v16  }
0x58: {  	v1 =	vmax.f32 v1, $0.0e+00;
	v12 =	vld.idx.msk [tilespmem:v12+s18+$0x0], $0xffff;
	v46 =	vmul.f32 v16, v16;
	v29 =	vmul.f32 v29, v26  }
0x59: {  	v44 =	vsub.f32 $1.500000000e+01, v44;
	v33 =	vpop (erf);
	(erf) = vrcp.f32 v7;
	v27 =	vshll.u32 v17, $0x10  }
0x5a: {  	v22 =	vld.idx.msk [tilespmem:v22+s20+$0x0], $0xffff;
	v30 =	vshll.u32 v6, $0x10;
	v17 =	vand.u32 $0xFFFF0000, v17;
	v6 =	vshll.u32 v6, $0xD  }
0x5b: {  	v18 =	vld.idx.msk [tilespmem:v18+s18+$0x0], $0xffff;
	v5 =	vshll.u32 v8, $0x10;
	v52 =	vand.u32 $0xFFFF0000, v31;
	v35 =	vand.u32 $0xFFFF0000, v8  }
0x5c: {  	s31 =	simm.s32 $0x2F10;
	v53 =	vshll.u32 v32, $0x10;
	v54 =	vshll.u32 v20, $0xD;
	v37 =	vshll.u32 v9, $0xD  }
0x5d: {  	s0 =	simm.s32 $0x1F70;
	v21 =	vld.idx.msk [tilespmem:v0+s31+$0xFFFFFFE0 ss:$0x1], $0xffff;
	v38 =	vshll.u32 v12, $0x10;
	v39 =	vmul.f32 v33, v33;
	v8 =	vshll.u32 v8, $0xD  }
0x5e: {  	s24 =	simm.s32 $0x3EB0;
	v25 =	vld.idx.msk [tilespmem:v0+s0+$0xFFFFFFE0 ss:$0x1], $0xffff;
	v57 =	vshll.u32 v34, $0x10;
	v11 =	vsub.f32 v33, v11;
	v41 =	vand.u32 $0xFFFF0000, v15  }
0x5f: {  	v28 =	vld.idx.msk [tilespmem:v0+s24+$0xFFFFFFE0 ss:$0x1], $0xffff;
	v45 =	vshll.u32 v22, $0x10;
	v59 =	vshll.u32 v32, $0xD;
	v31 =	vshll.u32 v31, $0x10  }
0x60: {  	v10 =	vld.idx.msk [tilespmem:v0+s31+$0x0 ss:$0x1], $0xffff;
	v34 =	vand.u32 $0xFFFF0000, v34;
	v60 =	vshll.u32 v18, $0xD;
	v12 =	vshll.u32 v12, $0xD  }
0x61: {  	v40 =	vld.idx.msk [tilespmem:v0+s24+$0xFFFFFFF0 ss:$0x1], $0xffff;
	v62 =	vshll.u32 v15, $0xD;
	v18 =	vshll.u32 v18, $0x10;
	v15 =	vshll.u32 v15, $0x10  }
0x62: {  	v43 =	vld.idx.msk [tilespmem:v0+s0+$0x0 ss:$0x1], $0xffff;
	v47 =	vand.u32 $0xFFFF0000, v9;
	v22 =	vand.u32 $0xFFFF0000, v22;
	v63 =	vmul.f32 v44, v16  }
0x63: {  	v61 =	vld.idx.msk [tilespmem:v0+s31+$0xFFFFFFD0 ss:$0x1], $0xffff;
	v9 =	vshll.u32 v9, $0x10;
	v16 =	vmul.f32 v46, v16;
	v30 =	vand.u32 $0x80000000, v30  }
0x64: {  	v17 =	vmul.f32 v17, v21;
	v6 =	vand.u32 $0xFFFE000, v6;
	v25 =	vmul.f32 v27, v25  }
0x65: {  	v21 =	vsub.f32 $1.500000000e+01, v49;
	v51 =	vand.u32 $0x80000000, v5;
	v10 =	vmul.f32 v52, v10  }
0x66: {  	v28 =	vmul.f32 v35, v28;
	v55 =	vand.u32 $0xFFFE000, v37;
	v8 =	vand.u32 $0xFFFE000, v8  }
0x67: {  	v37 =	vmul.f32 v41, v40;
	v31 =	vmul.f32 v31, v43;
	v38 =	vand.u32 $0x80000000, v38  }
0x68: {  	v56 =	vld.idx.msk [tilespmem:v0+s0+$0xFFFFFFF0 ss:$0x1], $0xffff;
	v12 =	vand.u32 $0xFFFE000, v12;
	v22 =	vmul.f32 v22, v61;
	v15 =	vand.u32 $0x80000000, v15  }
0x69: {  	v9 =	vand.u32 $0x80000000, v9;
	v18 =	vand.u32 $0x80000000, v18;
	v40 =	vand.u32 $0xFFFE000, v60  }
0x6a: {  	v50 =	vor.u32 v6, v30;
	v6 =	vsub.f32 $1.500000000e+01, v24;
	v30 =	vmul.f32 v19, v19  }
0x6b: {  	v8 =	vor.u32 v8, v51;
	v12 =	vor.u32 v12, v38;
	v9 =	vor.u32 v55, v9  }
0x6c: {  	v18 =	vor.u32 v40, v18;
	v4 =	vsub.f32 v39, v4;
	v60 =	vadd.f32 $-1.000000000e+01, v63  }
0x6d: {  	v7 =	vld.idx.msk [tilespmem:v0+s0+$0xFFFFFFD0 ss:$0x1], $0xffff;
	v17 =	vadd.f32 v17, v25;
	v21 =	vmul.f32 v21, v26;
	v26 =	vmul.f32 v57, v56  }
0x6e: {  	v25 =	vand.u32 $0x80000000, v53;
	v8 =	vmul.f32 $5.192296860e+33, v8;
	v5 =	vmul.f32 v6, v13;
	v6 =	vpop (erf)  }
0x6f: {  	v27 =	vmul.f32 $5.192296860e+33, v50;
	v12 =	vmul.f32 $5.192296860e+33, v12;
	v50 =	vand.u32 $0xFFFE000, v62;
	v42 =	vpop (erf)  }
0x70: {  	v49 =	vld.idx.msk [tilespmem:v0+s24+$0xFFFFFFD0 ss:$0x1], $0xffff;
	v10 =	vadd.f32 v10, v31;
	v53 =	vand.u32 $0xFFFF0000, v32;
	v58 =	vmul.f32 v42, v42  }
0x71: {  	v51 =	vld.idx.msk [tilespmem:v0+s31+$0xFFFFFFF0 ss:$0x1], $0xffff;
	v56 =	vshll.u32 v20, $0x10;
	v9 =	vmul.f32 $5.192296860e+33, v9;
	v13 =	vmul.f32 v23, v13  }
0x72: {  	v23 =	vand.u32 $0xFFFE000, v59;
	v7 =	vmul.f32 v45, v7;
	v24 =	vsub.f32 v58, v48;
	v48 =	vld.idx.msk [tilespmem:v0+s24+$0x0 ss:$0x1], $0xffff  }
0x73: {  	v15 =	vor.u32 v50, v15;
	v17 =	vadd.f32 v28, v17;
	v28 =	vand.u32 $0xFFFE000, v54  }
0x74: {  	v8 =	vmul.f32 v27, v8;
	v23 =	vor.u32 v23, v25;
	v15 =	vmul.f32 $5.192296860e+33, v15  }
0x75: {  	v7 =	vadd.f32 v22, v7;
	v23 =	vmul.f32 $5.192296860e+33, v23;
	v31 =	vmul.f32 v53, v49  }
0x76: {  	v36 =	vmul.f32 v6, v6;
	v57 =	vmul.f32 v34, v51;
	v14 =	vsub.f32 v42, v14  }
0x77: {  	v59 =	vadd.f32 $-1.000000000e+01, v21;
	v17 =	vmul.f32 v17, v42;
	v52 =	vpop (erf);
	v55 =	vmul.f32 v47, v48  }
0x78: {  	v7 =	vadd.f32 v31, v7;
	v54 =	vmul.f32 v52, v52;
	v14 =	vmul.f32 v8, v14  }
0x79: {  	v8 =	vmul.f32 $5.192296860e+33, v18;
	v17 =	vmul.f32 v17, v27;
	v10 =	vadd.f32 v55, v10  }
0x7a: {  	v62 =	vadd.f32 $-1.000000000e+01, v5;
	v58 =	vmul.f32 v12, v23;
	v7 =	vmul.f32 v7, v33  }
0x7b: {  	v19 =	vsub.f32 v52, v19;
	v9 =	vmul.f32 v8, v9;
	v10 =	vmul.f32 v10, v52  }
0x7c: {  	v18 =	vand.u32 $0x80000000, v56;
	v17 =	vmul.f32 v17, v24;
	v7 =	vmul.f32 v7, v12  }
0x7d: {  	v11 =	vmul.f32 v58, v11;
	v8 =	vmul.f32 v10, v8;
	v10 =	vsub.f32 v54, v30  }
0x7e: {  	v61 =	vor.u32 v28, v18;
	v12 =	vmul.f32 v59, v29;
	v7 =	vmul.f32 v7, v4  }
0x7f: {  	v4 =	vmul.f32 v60, v16;
	v8 =	vmul.f32 v8, v10;
	v10 =	vadd.f32 v57, v26  }
0x80: {  	v9 =	vmul.f32 v9, v19;
	v11 =	vadd.f32 v7, v11;
	v7 =	vsub.f32 v36, v2  }
0x81: {  	v2 =	vmin.f32 v1, $1.000000000e+00;
	v1 =	vadd.f32 $1.000000000e+00, v12;
	v10 =	vadd.f32 v37, v10  }
0x82: {  	s1 =	smul.u32 $0x7D0, s1;
	v8 =	vadd.f32 v8, v9;
	v9 =	vmul.f32 $1.439964490e+01, v11;
	v11 =	vmul.f32 $5.192296860e+33, v61  }
0x83: {  	s11 =	simm.s32 $0x3EF0;
	v3 =	vsub.f32 v6, v3;
	v63 =	vmul.f32 $6.000000000e+00, v2;
	v10 =	vmul.f32 v10, v6  }
0x84: {  	s21 =	simm.s32 $0x4E50;
	s2 =	sadd.s32 s7, s1;
	s1 =	simm.s32 $0x1010;
	v5 =	vadd.f32 v17, v14;
	v1 =	vmul.f32 v1, v9;
	v9 =	vmul.f32 v11, v15  }
0x85: {  	s22 =	simm.s32 $0x0;
	s23 =	simm.s32 $0x4E90;
	s24 =	simm.s32 $0x60;
	v6 =	vmul.f32 v62, v13;
	v10 =	vmul.f32 v10, v11;
	v11 =	vsub.f32 $1.500000000e+01, v63  }
.LBB2_3:
0x86: {  	v12 =	vld.idx.msk [tilespmem:v0+s24+$0xFFFFFFF0 ss:$0x1], $0xffff;
	s22 =	sadd.s32 $0x40, s22;
	v13 =	vmul.f32 v2, v2;
	v8 =	vmul.f32 $1.439964490e+01, v8;
	s0 =	sadd.s32 $0x40, s0;
	s31 =	sadd.s32 $0x40, s31  }
0x87: {  	v4 =	vadd.f32 $1.000000000e+00, v4;
	v14 =	vld.idx.msk [tilespmem:v0+s1+$0xFFFFFFF0 ss:$0x1], $0xffff;
	p0 =	slt.u32 s22, $0x780;
	v10 =	vmul.f32 v10, v7;
	v7 =	vmul.f32 v11, v2  }
0x88: {  	v3 =	vmul.f32 v9, v3;
	v15 =	vld.idx.msk [tilespmem:v0+s1+$0xFFFFFFD0 ss:$0x1], $0xffff;
	v2 =	vmul.f32 v13, v2  }
0x89: {  	v4 =	vmul.f32 v4, v8;
	v16 =	vld.idx.msk [tilespmem:v0+s1+$0xFFFFFFE0 ss:$0x1], $0xffff;
	v9 =	vadd.f32 $-1.000000000e+01, v7  }
0x8a: {  	v3 =	vadd.f32 v10, v3;
	v7 =	vld.idx.msk [tilespmem:v0+s1+$0x0 ss:$0x1], $0xffff  }
0x8b: {  	v5 =	vmul.f32 $1.439964490e+01, v5;
	v6 =	vadd.f32 $1.000000000e+00, v6;
	v8 =	vld.idx.msk [tilespmem:v0+s24+$0x0 ss:$0x1], $0xffff;
	v2 =	vmul.f32 v9, v2;
	[tilespmem:v0+s21+$0x0 ss:$0x1] =	vst.idx.msk $0xffff, v4  }
0x8c: {  	v4 =	vshrl.u32 v12, $0x10;
	v9 =	vand.u32 $0xFFFF, v12;
	v3 =	vmul.f32 $1.439964490e+01, v3;
	v10 =	vld.idx.msk [tilespmem:v0+s24+$0x10 ss:$0x1], $0xffff  }
0x8d: {  	v17 =	vmul.f32 $6.944444500e-03, v14;
	v18 =	vadd.f32 $-9.600000380e+00, v14;
	v12 =	vld.idx.msk [tilespmem:v0+s24+$0xFFFFFFE0 ss:$0x1], $0xffff;
	v2 =	vadd.f32 $1.000000000e+00, v2  }
0x8e: {  	v5 =	vmul.f32 v6, v5;
	v19 =	vmul.f32 $6.944444500e-03, v15;
	v20 =	vadd.f32 $-9.600000380e+00, v15;
	v11 =	vld.idx.msk [tilespmem:v0+s0+$0x0 ss:$0x1], $0xffff;
	[tilespmem:v0+s21+$0xFFFFFFD0 ss:$0x1] =	vst.idx.msk $0xffff, v1  }
0x8f: {  	v13 =	vmul.f32 $6.944444500e-03, v16;
	v6 =	vadd.f32 $-9.600000380e+00, v16;
	v21 =	vld.idx.msk [tilespmem:v0+s31+$0x0 ss:$0x1], $0xffff;
	v2 =	vmul.f32 v2, v3  }
0x90: {  	v1 =	vmul.f32 $4.166666570e-01, v18;
	v23 =	vadd.f32 $-9.600000380e+00, v7;
	v22 =	vld.idx.msk [tilespmem:v0+s31+$0xFFFFFFE0 ss:$0x1], $0xffff;
	(erf) = vrcp.f32 v15;
	[tilespmem:v0+s21+$0xFFFFFFE0 ss:$0x1] =	vst.idx.msk $0xffff, v5  }
0x91: {  	v5 =	vmul.f32 $4.166666570e-01, v20;
	v3 =	vmul.f32 $4.166666570e-01, v6;
	v6 =	vand.u32 $0xFFFF, v8;
	v15 =	vld.idx.msk [tilespmem:v9+s20+$0x0], $0xffff;
	[tilespmem:v0+s21+$0xFFFFFFF0 ss:$0x1] =	vst.idx.msk $0xffff, v2;
	s21 =	smov.u32 s23  }
0x92: {  	v25 =	vmul.f32 $6.944444500e-03, v7;
	v24 =	vshrl.u32 v10, $0x10;
	v10 =	vand.u32 $0xFFFF, v10;
	v20 =	vld.idx.msk [tilespmem:v4+s18+$0x0], $0xffff  }
0x93: {  	v19 =	vsub.f32 $1.666666720e-01, v19;
	v8 =	vshrl.u32 v8, $0x10;
	v2 =	vmax.f32 v3, $0.0e+00;
	v26 =	vld.idx.msk [tilespmem:v0+s0+$0xFFFFFFE0 ss:$0x1], $0xffff  }
0x94: {  	v27 =	vand.u32 $0xFFFF, v12;
	v3 =	vsub.f32 $1.666666720e-01, v17;
	v29 =	vmin.f32 v2, $1.000000000e+00;
	v28 =	vld.idx.msk [tilespmem:v9+s18+$0x0], $0xffff  }
0x95: {  	v2 =	vmax.f32 v5, $0.0e+00;
	v31 =	vmul.f32 v29, v29;
	v5 =	vmul.f32 $6.000000000e+00, v29;
	v30 =	vld.idx.msk [tilespmem:v0+s11+$0xFFFFFFE0 ss:$0x1], $0xffff  }
0x96: {  	v32 =	vmin.f32 v2, $1.000000000e+00;
	v2 =	vmul.f32 v3, v3;
	(erf) = vrcp.f32 v14  }
0x97: {  	v12 =	vshrl.u32 v12, $0x10;
	v4 =	vmul.f32 v19, v19;
	v14 =	vshll.u32 v15, $0x10;
	v33 =	vld.idx.msk [tilespmem:v10+s20+$0x0], $0xffff  }
0x98: {  	v34 =	vmul.f32 v32, v32;
	v15 =	vand.u32 $0xFFFF0000, v15;
	v17 =	vshll.u32 v20, $0x10;
	v9 =	vld.idx.msk [tilespmem:v8+s18+$0x0], $0xffff  }
0x99: {  	v15 =	vmul.f32 v15, v22;
	v22 =	vmul.f32 $4.166666570e-01, v23;
	v35 =	vand.u32 $0x80000000, v17;
	v18 =	vld.idx.msk [tilespmem:v27+s18+$0x0], $0xffff;
	v8 =	vpop (erf)  }
0x9a: {  	v23 =	vmul.f32 $6.000000000e+00, v32;
	v20 =	vshll.u32 v20, $0xD;
	v17 =	vsub.f32 $1.666666720e-01, v25;
	v36 =	vld.idx.msk [tilespmem:v6+s20+$0x0], $0xffff  }
0x9b: {  	v20 =	vand.u32 $0xFFFE000, v20;
	v14 =	vmul.f32 v14, v26;
	v25 =	vld.idx.msk [tilespmem:v10+s18+$0x0], $0xffff;
	v10 =	vmax.f32 v22, $0.0e+00  }
0x9c: {  	v5 =	vsub.f32 $1.500000000e+01, v5;
	v20 =	vor.u32 v20, v35;
	v22 =	vld.idx.msk [tilespmem:v6+s18+$0x0], $0xffff;
	(erf) = vrcp.f32 v16  }
0x9d: {  	v23 =	vsub.f32 $1.500000000e+01, v23;
	v37 =	vshll.u32 v28, $0x10;
	v14 =	vadd.f32 v15, v14;
	v26 =	vld.idx.msk [tilespmem:v12+s18+$0x0], $0xffff  }
0x9e: {  	v35 =	vand.u32 $0x80000000, v37;
	v16 =	vand.u32 $0xFFFF0000, v33;
	v12 =	vmul.f32 v17, v17;
	v27 =	vld.idx.msk [tilespmem:v27+s20+$0x0], $0xffff  }
0x9f: {  	v5 =	vmul.f32 v5, v29;
	v15 =	vand.u32 $0xFFFF0000, v28;
	v21 =	vmul.f32 v16, v21;
	v6 =	vpop (erf)  }
0xa0: {  	v15 =	vmul.f32 v15, v30;
	v30 =	vmin.f32 v10, $1.000000000e+00;
	v37 =	vshll.u32 v18, $0x10  }
0xa1: {  	v16 =	vshll.u32 v9, $0xD;
	v10 =	vmul.f32 v6, v6;
	v38 =	vshll.u32 v25, $0xD  }
0xa2: {  	v14 =	vadd.f32 v15, v14;
	v15 =	vand.u32 $0xFFFE000, v16;
	v38 =	vand.u32 $0xFFFE000, v38;
	v39 =	vld.idx.msk [tilespmem:v0+s0+$0xFFFFFFF0 ss:$0x1], $0xffff  }
0xa3: {  	v41 =	vmul.f32 v8, v8;
	v16 =	vmul.f32 v34, v32;
	v40 =	vshll.u32 v26, $0x10;
	v34 =	vld.idx.msk [tilespmem:v0+s11+$0xFFFFFFF0 ss:$0x1], $0xffff  }
0xa4: {  	v28 =	vshll.u32 v28, $0xD;
	v23 =	vmul.f32 v23, v32;
	v32 =	vshll.u32 v36, $0x10;
	v24 =	vld.idx.msk [tilespmem:v24+s18+$0x0], $0xffff  }
0xa5: {  	v19 =	vsub.f32 v8, v19;
	v28 =	vand.u32 $0xFFFE000, v28;
	v42 =	vand.u32 $0xFFFF0000, v22;
	v43 =	vpop (erf)  }
0xa6: {  	v28 =	vor.u32 v28, v35;
	v44 =	vmul.f32 $6.000000000e+00, v30;
	v35 =	vmul.f32 v43, v43  }
0xa7: {  	v45 =	vshll.u32 v27, $0x10;
	v46 =	vmul.f32 v14, v43;
	v14 =	vmul.f32 v31, v29  }
0xa8: {  	v29 =	vshll.u32 v18, $0xD;
	v31 =	vmul.f32 v32, v39;
	v32 =	vshll.u32 v33, $0x10  }
0xa9: {  	v28 =	vmul.f32 $5.192296860e+33, v28;
	v36 =	vand.u32 $0xFFFF0000, v36;
	v33 =	vand.u32 $0x80000000, v37  }
0xaa: {  	v29 =	vand.u32 $0xFFFE000, v29;
	v34 =	vmul.f32 v42, v34;
	v39 =	vshll.u32 v24, $0xD;
	v37 =	vld.idx.msk [tilespmem:v0+s31+$0xFFFFFFD0 ss:$0x1], $0xffff  }
0xab: {  	v13 =	vsub.f32 $1.666666720e-01, v13;
	v11 =	vmul.f32 v32, v11;
	v42 =	vld.idx.msk [tilespmem:v0+s0+$0xFFFFFFD0 ss:$0x1], $0xffff;
	(erf) = vrcp.f32 v7  }
0xac: {  	v26 =	vshll.u32 v26, $0xD;
	v32 =	vshll.u32 v22, $0xD;
	v7 =	vand.u32 $0x80000000, v40  }
0xad: {  	v26 =	vand.u32 $0xFFFE000, v26;
	v24 =	vshll.u32 v24, $0x10;
	v40 =	vmul.f32 v30, v30  }
0xae: {  	v44 =	vsub.f32 $1.500000000e+01, v44;
	v47 =	vand.u32 $0xFFFF0000, v25;
	v22 =	vshll.u32 v22, $0x10  }
0xaf: {  	v48 =	vmul.f32 v13, v13;
	v20 =	vmul.f32 $5.192296860e+33, v20;
	v27 =	vand.u32 $0xFFFF0000, v27  }
0xb0: {  	v7 =	vor.u32 v26, v7;
	v26 =	vmul.f32 v27, v37;
	v27 =	vmul.f32 v44, v30  }
0xb1: {  	v28 =	vmul.f32 v20, v28;
	v35 =	vsub.f32 v35, v48;
	v45 =	vmul.f32 v45, v42;
	v42 =	vld.idx.msk [tilespmem:v0+s11+$0x0 ss:$0x1], $0xffff  }
0xb2: {  	v25 =	vshll.u32 v25, $0x10;
	v7 =	vmul.f32 $5.192296860e+33, v7;
	v30 =	vmul.f32 v40, v30;
	v44 =	vld.idx.msk [tilespmem:v0+s11+$0xFFFFFFD0 ss:$0x1], $0xffff  }
0xb3: {  	v13 =	vsub.f32 v43, v13;
	v22 =	vand.u32 $0x80000000, v22;
	v32 =	vand.u32 $0xFFFE000, v32  }
0xb4: {  	v25 =	vand.u32 $0x80000000, v25;
	v29 =	vor.u32 v29, v33;
	v26 =	vadd.f32 v26, v45;
	v33 =	vld.idx.msk [tilespmem:v0+s31+$0xFFFFFFF0 ss:$0x1], $0xffff;
	v37 =	vpop (erf)  }
0xb5: {  	v24 =	vand.u32 $0x80000000, v24;
	v39 =	vand.u32 $0xFFFE000, v39;
	v11 =	vadd.f32 v21, v11  }
0xb6: {  	v18 =	vand.u32 $0xFFFF0000, v18;
	v21 =	vor.u32 v38, v25;
	v25 =	vmul.f32 v37, v37  }
0xb7: {  	v29 =	vmul.f32 $5.192296860e+33, v29;
	v22 =	vor.u32 v32, v22;
	v32 =	vmul.f32 v47, v42  }
0xb8: {  	v24 =	vor.u32 v39, v24;
	v17 =	vsub.f32 v37, v17;
	v18 =	vmul.f32 v18, v44  }
0xb9: {  	v13 =	vmul.f32 v28, v13;
	v24 =	vmul.f32 $5.192296860e+33, v24;
	v11 =	vadd.f32 v32, v11  }
0xba: {  	v9 =	vshll.u32 v9, $0x10;
	v21 =	vmul.f32 $5.192296860e+33, v21;
	v28 =	vmul.f32 v36, v33  }
0xbb: {  	v20 =	vmul.f32 v46, v20;
	v18 =	vadd.f32 v18, v26;
	v11 =	vmul.f32 v11, v37  }
0xbc: {  	v9 =	vand.u32 $0x80000000, v9;
	v21 =	vmul.f32 v24, v21;
	v26 =	vmul.f32 v7, v29  }
0xbd: {  	v4 =	vsub.f32 v41, v4;
	v8 =	vmul.f32 v18, v8;
	v18 =	vmul.f32 v20, v35  }
0xbe: {  	v12 =	vsub.f32 v25, v12;
	v20 =	vmul.f32 $5.192296860e+33, v22;
	v11 =	vmul.f32 v11, v24  }
0xbf: {  	v22 =	vadd.f32 $-1.000000000e+01, v27;
	v7 =	vmul.f32 v8, v7;
	v8 =	vadd.f32 $-1.000000000e+01, v23  }
0xc0: {  	v3 =	vsub.f32 v6, v3;
	v19 =	vmul.f32 v26, v19;
	v11 =	vmul.f32 v11, v12  }
0xc1: {  	v12 =	vadd.f32 v28, v31;
	v7 =	vmul.f32 v7, v4;
	v4 =	vmul.f32 v22, v30  }
0xc2: {  	v1 =	vmax.f32 v1, $0.0e+00;
	v9 =	vor.u32 v15, v9;
	v15 =	vmul.f32 v21, v17  }
0xc3: {  	v16 =	vmul.f32 v8, v16;
	v12 =	vadd.f32 v34, v12;
	v17 =	vadd.f32 v7, v19  }
.Ltmp0:
0xc4: {  	v8 =	vadd.f32 v11, v15;
	v7 =	vsub.f32 v10, v2;
	v2 =	vmin.f32 v1, $1.000000000e+00;
	(pc) =	sbr.rel @p0 .LBB2_3-.Ltmp0, $4  }
0xc5: {  	v11 =	vmul.f32 $5.192296860e+33, v9;
	v1 =	vadd.f32 $1.000000000e+00, v16;
	v10 =	vmul.f32 $1.439964490e+01, v17  }
0xc6: {  	v15 =	vadd.f32 $-1.000000000e+01, v5;
	v12 =	vmul.f32 v12, v6;
	v16 =	vmul.f32 $6.000000000e+00, v2  }
0xc7: {  	s23 =	sadd.s32 $0x40, s23;
	v5 =	vadd.f32 v18, v13;
	v9 =	vmul.f32 v11, v20;
	v1 =	vmul.f32 v1, v10  }
0xc8: {  	s1 =	sadd.s32 $0x40, s1;
	s24 =	sadd.s32 $0x40, s24;
	s11 =	sadd.s32 $0x40, s11;
	v6 =	vmul.f32 v15, v14;
	v10 =	vmul.f32 v12, v11;
	v11 =	vsub.f32 $1.500000000e+01, v16  }
0xc9: {  	_ = 	snop  }
0xca: {  	v12 =	vmul.f32 v2, v2;
	v11 =	vmul.f32 v11, v2  }
0xcb: {  	v3 =	vmul.f32 v9, v3  }
0xcc: {  	v7 =	vmul.f32 v10, v7;
	v39 =	vmul.f32 v12, v2;
	v40 =	vadd.f32 $-1.000000000e+01, v11  }
0xcd: {  	v8 =	vmul.f32 $1.439964490e+01, v8  }
0xce: {  	v4 =	vadd.f32 $1.000000000e+00, v4;
	v3 =	vadd.f32 v7, v3;
	v2 =	vmul.f32 v40, v39  }
0xcf: {  	v5 =	vmul.f32 $1.439964490e+01, v5;
	v6 =	vadd.f32 $1.000000000e+00, v6  }
0xd0: {  	v4 =	vmul.f32 v4, v8;
	v3 =	vmul.f32 $1.439964490e+01, v3;
	v2 =	vadd.f32 $1.000000000e+00, v2  }
0xd1: {  	[tilespmem:v0+s21+$0xFFFFFFD0 ss:$0x1] =	vst.idx.msk $0xffff, v1;
	v41 =	vmul.f32 v6, v5  }
0xd2: {  	[tilespmem:v0+s21+$0x0 ss:$0x1] =	vst.idx.msk $0xffff, v4;
	v42 =	vmul.f32 v2, v3  }
0xd3: {  	[tilespmem:v0+s21+$0xFFFFFFE0 ss:$0x1] =	vst.idx.msk $0xffff, v41  }
0xd4: {  	[tilespmem:v0+s21+$0xFFFFFFF0 ss:$0x1] =	vst.idx.msk $0xffff, v42  }
0xd5: {  	v0 =	vld [tilespmem:s30+$0x7C0];
	_ =	sdelay $0x3  }
0xd6: {  	v45 =	vld [tilespmem:s30+$0x1760]  }
0xd7: {  	v43 =	vand.u32 $0xFFFF, v0;
	_ =	sdelay $0x2  }
0xd8: {  	v0 =	vshrl.u32 v0, $0x10  }
0xd9: {  	v4 =	vld [tilespmem:s30+$0x2700];
	(erf) = vrcp.f32 v45;
	v51 =	vadd.f32 $-9.600000380e+00, v45  }
0xda: {  	v44 =	vld.idx.msk [tilespmem:v43+s18+$0x0], $0xffff  }
0xdb: {  	v3 =	vmul.f32 $-6.944444500e-03, v45;
	v53 =	vmul.f32 $4.166666570e-01, v51;
	v1 =	vld.idx.msk [tilespmem:v43+s20+$0x0], $0xffff  }
0xdc: {  	v48 =	vld [tilespmem:s30+$0x36A0]  }
0xdd: {  	v3 =	vadd.f32 $1.666666720e-01, v3;
	v54 =	vmax.f32 v53, $0.0e+00;
	v0 =	vld.idx.msk [tilespmem:v0+s18+$0x0], $0xffff  }
0xde: {  	v49 =	vld [tilespmem:s30+$0x4640];
	v55 =	vmin.f32 v54, $1.000000000e+00  }
0xdf: {  	v59 =	vmul.f32 v3, v3;
	v57 =	vmul.f32 $-6.000000000e+00, v55  }
0xe0: {  	v46 =	vshll.u32 v44, $0x10;
	v50 =	vshll.u32 v1, $0x10;
	v1 =	vand.u32 $0xFFFF0000, v1  }
0xe1: {  	v47 =	vshll.u32 v44, $0xD;
	v4 =	vmul.f32 v50, v4;
	v1 =	vmul.f32 v1, v48  }
0xe2: {  	v56 =	vpop (erf);
	v52 =	vshll.u32 v0, $0x10;
	v2 =	vand.u32 $0xFFFF0000, v44;
	v0 =	vshll.u32 v0, $0xD  }
0xe3: {  	v58 =	vmul.f32 v56, v56;
	v2 =	vmul.f32 v2, v49;
	v1 =	vadd.f32 v1, v4  }
0xe4: {  	v5 =	vand.u32 $0x80000000, v46;
	v6 =	vand.u32 $0xFFFE000, v47;
	v7 =	vand.u32 $0x80000000, v52  }
0xe5: {  	v0 =	vand.u32 $0xFFFE000, v0;
	v5 =	vor.u32 v6, v5;
	v1 =	vadd.f32 v2, v1  }
0xe6: {  	v0 =	vor.u32 v0, v7;
	v6 =	vadd.f32 $1.500000000e+01, v57;
	v5 =	vmul.f32 $5.192296860e+33, v5  }
0xe7: {  	v0 =	vmul.f32 $5.192296860e+33, v0;
	v1 =	vmul.f32 v1, v56  }
0xe8: {  	v61 =	vmul.f32 v55, v55;
	v3 =	vsub.f32 v56, v3;
	v6 =	vmul.f32 v6, v55  }
0xe9: {  	v60 =	vsub.f32 v58, v59;
	v5 =	vmul.f32 v0, v5;
	v0 =	vmul.f32 v1, v0  }
0xea: {  	v62 =	vmul.f32 v61, v55  }
0xeb: {  	v63 =	vadd.f32 $-1.000000000e+01, v6;
	v3 =	vmul.f32 v5, v3;
	v0 =	vmul.f32 v0, v60;
	_ =	sdelay $0x1  }
0xec: {  	v1 =	vmul.f32 v63, v62;
	v0 =	vadd.f32 v0, v3;
	_ =	sdelay $0x1  }
0xed: {  	p0 =	sne.s32 s29, $0x19;
	v1 =	vadd.f32 $1.000000000e+00, v1;
	v0 =	vmul.f32 $1.439964490e+01, v0  }
.Ltmp1:
0xee: {  	_ = 	snop;
	(pc) =	sbr.rel @p0 .LBB2_2-.Ltmp1, $4  }
0xef: {  	v0 =	vmul.f32 v1, v0  }
0xf0: {  	s0 =	sshrl.u32 s2, $0x3  }
0xf1: {  	s1 =	sadd.s32 $0x4E20, s30;
	s0 =	sadd.s32 s4, s0;
	[tilespmem:s30+$0x55E0] =	vst v0  }
0xf2: {  	[hbm4b:s0+s5] =	stream.linear.scatter [tilespmem:s1], [sflag:$0x2], $0x7D0, $0x38;
	[tilespmem:$0x1E460] =	vst v63  }
0xf3: {  	s28 =	sadd.s32 $0x1, s28  }
0xf4: {  	_ =	swait.ge [sflag:s26], $0x7D0;
	p0 =	sne.s32 s28, s17  }
.Ltmp2:
0xf5: {  	[sflag:s26] =	ssyncset.done $0x0;
	(pc) =	sbr.rel @p0 .LBB2_1-.Ltmp2, $4  }
0xf6: {  	[sflag:s26] =	ssyncadd.s32 $0xFFFFF830  }
0xf7: {  	_ =	swait.ge [sflag:s26], $0x7D0  }
0xf8: {  	[sflag:s26] =	ssyncset.done $0x0  }
0xf9: {  	[sflag:s26] =	ssyncadd.s32 $0xFFFFF830  }
0xfa: {  	_ =	sfence.sel $0x180000  }
0xfb: {  	[bflag:$0x0] =	sbarrier.arrive $0xFFFF  }
0xfc: {  	_ =	strace $0x90000047  }
0xfd: {  	s0 =	stileid.u32;
	[bflag:$0x2] =	sbarrier.arrive $0xFFFF  }
0xfe: {  	p0 =	sne.s32 s0, $0x0;
	s0 =	rddreg [dreg:$0x3]  }
0xff: {  	s0 =	sadd.s32 @!p0 $0x100000, s0  }
0x100: {  	[sflag:s0] =	ssyncadd.tile.s32 @!p0 $0x1;
	_ =	shalt  }
.Lfunc_end2:
_tile_overlayer_lowered:
.L_overlay_start_2:
0x101: {  	(tag) =	ssettag $0x2  }
0x102: {  	s0 =	rddreg [dreg:$0x0];
	s2 =	stileid.u32  }
0x103: {  	s1 =	rddreg [dreg:$0x1];
	p0 =	sne.s32 s2, $0x0  }
0x104: {  	s3 =	rddreg [dreg:$0x2];
	[bflag:$0x3] =	sbarrier.arrive $0xFFFF;
	s2 =	simm.s32 @!p0 $0x1C03  }
0x105: {  	[timem:s3], [sflag:s2] =	dma.local @!p0 [hbm:s0], s1  }
0x106: {  	s0 =	simm.s32 @!p0 $0x3  }
0x107: {  	_ =	swait.ge @!p0 [sflag:s0], s1  }
0x108: {  	s1 =	ssub.s32 @!p0 $0x0, s1;
	[sflag:s0] =	ssyncset.done @!p0 $0x0  }
0x109: {  	[sflag:s0] =	ssyncadd.s32 @!p0 s1  }
0x10a: {  	[bflag:$0x3] =	sbarrier.arrive $0xFFFF  }
0x10b: {  	_ =	shalt  }

</sc_bundles>
